<compile_context>
chip_gen: v7x
topology: tpu7x:2x2x1
jax: 0.10.2.dev20260603
libtpu: 0.0.44.dev20260713+nightly
codegen_flags: <defaults>
</compile_context>

<pallas_src>
import jax
import jax.numpy as jnp
from jax import lax
from jax.experimental import pallas as pl
from jax.experimental.pallas import tpu as pltpu
from jax.experimental.pallas import tpu_sc as plsc

_N = 16777216
_NBINS = 256
_NW = 32
_PER_W = _N // _NW
_CHUNK = 16384
_NCHUNK = _PER_W // _CHUNK
_L = 16
_SCALE = 2.0 / (_NBINS - 1)


_STR = 17
_TABX = _NBINS * _STR


def _hist_equal_body(y_hbm, bins_hbm, incs_hbm, out_hbm, bins_v, rincs_v,
                     binsx_v, rincsx_v, yb, ob, yb2, ob2,
                     in_sem0, in_sem1, out_sem0, out_sem1):
    wid = lax.axis_index("s") * 2 + lax.axis_index("c")
    base = wid * _PER_W

    pltpu.sync_copy(bins_hbm, bins_v)
    pltpu.sync_copy(incs_hbm, rincs_v)

    lane = jnp.arange(_L, dtype=jnp.int32)

    @plsc.parallel_loop(0, _NBINS, step=_L)
    def _(o):
        rincs_v[pl.ds(o, _L)] = jnp.float32(_SCALE) / rincs_v[pl.ds(o, _L)]

    @plsc.parallel_loop(0, _NBINS, step=_L)
    def _(o):
        bv = bins_v[pl.ds(o, _L)]
        rv = rincs_v[pl.ds(o, _L)]
        addr0 = (o + lane) * _STR
        for l in range(_L):
            plsc.store_scatter(binsx_v, [addr0 + l], bv)
            plsc.store_scatter(rincsx_v, [addr0 + l], rv)

    def in_copy(g, buf, sem):
        off = base + jnp.minimum(g, _NCHUNK - 1) * _CHUNK
        return pltpu.make_async_copy(y_hbm.at[pl.ds(off, _CHUNK)], buf, sem)

    def out_copy(g, buf, sem):
        off = base + g * _CHUNK
        return pltpu.make_async_copy(buf, out_hbm.at[pl.ds(off, _CHUNK)], sem)

    def compute(src, dst):
        t1 = lane + 128 * _STR
        b128 = plsc.load_gather(binsx_v, [t1])
        b64 = plsc.load_gather(binsx_v, [lane + 64 * _STR])
        b192 = plsc.load_gather(binsx_v, [lane + 192 * _STR])

        @plsc.parallel_loop(0, _CHUNK, step=_L, unroll=2)
        def _(o):
            v = src[pl.ds(o, _L)]
            k = lane
            for s in (128, 64, 32, 16, 8, 4, 2, 1):
                t = k + s * _STR
                bt = plsc.load_gather(binsx_v, [t])
                k = jnp.where(bt <= v, t, k)
            bv = plsc.load_gather(binsx_v, [k])
            ri = plsc.load_gather(rincsx_v, [k])
            d = jnp.minimum(jnp.maximum((v - bv) * ri, 0.0), jnp.float32(_SCALE))
            kf = (k - lane).astype(jnp.float32) * jnp.float32(_SCALE / _STR)
            dst[pl.ds(o, _L)] = kf + d - 1.0

    in_copy(0, yb, in_sem0).start()
    in_copy(1, yb2, in_sem1).start()

    def pair_body(p, c):
        g0 = 2 * p
        g1 = g0 + 1
        in_copy(g0, yb, in_sem0).wait()

        @pl.when(p > 0)
        def _():
            out_copy(g0, ob, out_sem0).wait()

        compute(yb, ob)
        out_copy(g0, ob, out_sem0).start()
        in_copy(g0 + 2, yb, in_sem0).start()

        in_copy(g1, yb2, in_sem1).wait()

        @pl.when(p > 0)
        def _():
            out_copy(g1, ob2, out_sem1).wait()

        compute(yb2, ob2)
        out_copy(g1, ob2, out_sem1).start()
        in_copy(g1 + 2, yb2, in_sem1).start()
        return c

    lax.fori_loop(0, _NCHUNK // 2, pair_body, 0)
    out_copy(_NCHUNK - 2, ob, out_sem0).wait()
    out_copy(_NCHUNK - 1, ob2, out_sem1).wait()
    in_copy(_NCHUNK - 1, yb, in_sem0).wait()
    in_copy(_NCHUNK - 1, yb2, in_sem1).wait()


def kernel(y, bins, incs):
    mesh = plsc.VectorSubcoreMesh(core_axis_name="c", subcore_axis_name="s")
    f = pl.kernel(
        _hist_equal_body,
        out_type=jax.ShapeDtypeStruct((_N,), jnp.float32),
        mesh=mesh,
        scratch_types=[
            pltpu.VMEM((_NBINS,), jnp.float32),
            pltpu.VMEM((_NBINS,), jnp.float32),
            pltpu.VMEM((_TABX,), jnp.float32),
            pltpu.VMEM((_TABX,), jnp.float32),
            pltpu.VMEM((_CHUNK,), jnp.float32),
            pltpu.VMEM((_CHUNK,), jnp.float32),
            pltpu.VMEM((_CHUNK,), jnp.float32),
            pltpu.VMEM((_CHUNK,), jnp.float32),
            pltpu.SemaphoreType.DMA,
            pltpu.SemaphoreType.DMA,
            pltpu.SemaphoreType.DMA,
            pltpu.SemaphoreType.DMA,
        ],
        compiler_params=pltpu.CompilerParams(needs_layout_passes=False),
    )
    return f(y, bins, incs)

# --- scband reference (transcript-rebuilt; emitter-appended) ---
"""Pipeline reference for scband-hist-equal-33483565039983 (READ-ONLY COPY).

The authoritative reference and input builder live on the scoring server;
editing this copy changes nothing except your own understanding.
"""

import jax, jax.numpy as jnp
import numpy as np

N_STEPS = 256

def setup_inputs(seed: int = 0) -> dict:
    key = jax.random.key(seed)
    k1, k2 = jax.random.split(key)
    # Large flat tensor of output values to equalize (memory-bound elementwise gather op)
    y = jax.random.normal(k1, (16777216,), dtype=jnp.float32) * 2.0
    # Monotonically increasing bins (as produced by load_stats), spanning roughly [-6, 6]
    incs_raw = jax.random.uniform(k2, (N_STEPS - 1,), dtype=jnp.float32, minval=0.001, maxval=1.0)
    bins = jnp.concatenate([
        jnp.array([-6.0], dtype=jnp.float32),
        -6.0 + jnp.cumsum(incs_raw) * (12.0 / jnp.sum(incs_raw)),
    ])
    incs_d = jnp.diff(bins)
    incs = jnp.concatenate([incs_d, incs_d[-1:]])
    return {"y": y, "bins": bins, "incs": incs}


def reference(y, bins, incs):
    n_steps = bins.shape[0]
    invalid = jnp.isnan(y)
    # torch.bucketize(..., right=True) == searchsorted side='right'
    inds = jnp.clip(jnp.searchsorted(bins, y, side='right') - 1, 0, n_steps - 1)
    delta = jnp.clip((y - bins[inds]) / incs[inds], 0.0, 1.0)
    inds_f = inds.astype(y.dtype) + delta
    y_q = 2.0 * inds_f / (n_steps - 1) - 1.0
    y_q = jnp.where(invalid, jnp.nan, y_q)
    return y_q

if __name__ == "__main__":
    import jax
    _d = setup_inputs()
    print(jax.jit(kernel)(*tuple(_d.values())))

</pallas_src>

<mosaic_0001>
#map = affine_map<(d0, d1) -> (0)>
module attributes {stable_mosaic.version = 14 : i64} {
  func.func @_hist_equal_body(%arg0: i32, %arg1: i32, %arg2: memref<16777216xf32, #tpu.memory_space<hbm>>, %arg3: memref<256xf32, #tpu.memory_space<hbm>>, %arg4: memref<256xf32, #tpu.memory_space<hbm>>, %arg5: memref<16777216xf32, #tpu.memory_space<hbm>>, %arg6: memref<256xf32, #tpu.memory_space<vmem>>, %arg7: memref<256xf32, #tpu.memory_space<vmem>>, %arg8: memref<4352xf32, #tpu.memory_space<vmem>>, %arg9: memref<4352xf32, #tpu.memory_space<vmem>>, %arg10: memref<16384xf32, #tpu.memory_space<vmem>>, %arg11: memref<16384xf32, #tpu.memory_space<vmem>>, %arg12: memref<16384xf32, #tpu.memory_space<vmem>>, %arg13: memref<16384xf32, #tpu.memory_space<vmem>>, %arg14: memref<!tpu.dma_semaphore, #tpu.memory_space<semaphore_mem>>, %arg15: memref<!tpu.dma_semaphore, #tpu.memory_space<semaphore_mem>>, %arg16: memref<!tpu.dma_semaphore, #tpu.memory_space<semaphore_mem>>, %arg17: memref<!tpu.dma_semaphore, #tpu.memory_space<semaphore_mem>>) attributes {dimension_semantics = [#tpu.dimension_semantics<core_parallel>, #tpu.dimension_semantics<subcore_parallel>], iteration_bounds = array<i64: 2, 16>, scalar_prefetch = 0 : i64, scratch_operands = 12 : i64, tpu.core_type = #tpu.core_type<sc_vector_subcore>, window_params = [{transform_indices = #map}, {transform_indices = #map}, {transform_indices = #map}, {transform_indices = #map}]} {
    %mul3A = arith.constant 2 : i32
    %mul3A_0 = arith.muli %arg1, %mul3A : i32
    %add3A = arith.addi %mul3A_0, %arg0 : i32
    %mul3A_1 = arith.constant 524288 : i32
    %mul3A_2 = arith.muli %add3A, %mul3A_1 : i32
    "tpu.region"() ({
      %run_scoped3A = tpu.sem_alloc : memref<!tpu.dma_semaphore, #tpu.memory_space<semaphore_mem>>
      tpu.enqueue_dma source(%arg3 : memref<256xf32, #tpu.memory_space<hbm>>) target(%arg6 : memref<256xf32, #tpu.memory_space<vmem>>) target_semaphore(%run_scoped3A : memref<!tpu.dma_semaphore, #tpu.memory_space<semaphore_mem>>)
      tpu.wait_dma2 semaphore(%run_scoped3A : memref<!tpu.dma_semaphore, #tpu.memory_space<semaphore_mem>>) src(%arg3 : memref<256xf32, #tpu.memory_space<hbm>>) dst(%arg6 : memref<256xf32, #tpu.memory_space<vmem>>)
      tpu.yield
    }) : () -> ()
    "tpu.region"() ({
      %run_scoped3A = tpu.sem_alloc : memref<!tpu.dma_semaphore, #tpu.memory_space<semaphore_mem>>
      tpu.enqueue_dma source(%arg4 : memref<256xf32, #tpu.memory_space<hbm>>) target(%arg7 : memref<256xf32, #tpu.memory_space<vmem>>) target_semaphore(%run_scoped3A : memref<!tpu.dma_semaphore, #tpu.memory_space<semaphore_mem>>)
      tpu.wait_dma2 semaphore(%run_scoped3A : memref<!tpu.dma_semaphore, #tpu.memory_space<semaphore_mem>>) src(%arg4 : memref<256xf32, #tpu.memory_space<hbm>>) dst(%arg7 : memref<256xf32, #tpu.memory_space<vmem>>)
      tpu.yield
    }) : () -> ()
    %iota3A = tpu.iota {dimensions = array<i32: 0>} : vector<16xi32>
    %parallel_loop3A = arith.constant 0 : i32
    %parallel_loop3A_3 = arith.constant 256 : i32
    %parallel_loop3A_4 = arith.constant 16 : i32
    scf.for %parallel_loop3A_50 = %parallel_loop3A to %parallel_loop3A_3 step %parallel_loop3A_4  : i32 {
      %parallel_loop3A_51 = arith.index_cast %parallel_loop3A_50 : i32 to index
      %parallel_loop3A_52 = tpu.vector_load %arg7[%parallel_loop3A_51] {strides = array<i32>} : memref<256xf32, #tpu.memory_space<vmem>>, vector<16xf32>,
      %parallel_loop3A_53 = arith.constant 0.00784313772 : f32
      %parallel_loop3A_54 = vector.broadcast %parallel_loop3A_53 : f32 to vector<16xf32>
      %parallel_loop3A_55 = arith.divf %parallel_loop3A_54, %parallel_loop3A_52 : vector<16xf32>
      %parallel_loop3A_56 = arith.index_cast %parallel_loop3A_50 : i32 to index
      %parallel_loop3A_57 = tpu.vector_load %arg7[%parallel_loop3A_56] {strides = array<i32>} : memref<256xf32, #tpu.memory_space<vmem>>, vector<16xf32>,
      tpu.vector_store %arg7[%parallel_loop3A_56], %parallel_loop3A_55 {strides = array<i32>} : memref<256xf32, #tpu.memory_space<vmem>>, vector<16xf32>,
    } {sc.loop_unroll_factor = 1 : i64, sc.parallel_access}
    %parallel_loop3A_5 = arith.constant 0 : i32
    %parallel_loop3A_6 = arith.constant 256 : i32
    %parallel_loop3A_7 = arith.constant 16 : i32
    scf.for %parallel_loop3A_50 = %parallel_loop3A_5 to %parallel_loop3A_6 step %parallel_loop3A_7  : i32 {
      %parallel_loop3A_51 = arith.index_cast %parallel_loop3A_50 : i32 to index
      %parallel_loop3A_52 = tpu.vector_load %arg6[%parallel_loop3A_51] {strides = array<i32>} : memref<256xf32, #tpu.memory_space<vmem>>, vector<16xf32>,
      %parallel_loop3A_53 = arith.index_cast %parallel_loop3A_50 : i32 to index
      %parallel_loop3A_54 = tpu.vector_load %arg7[%parallel_loop3A_53] {strides = array<i32>} : memref<256xf32, #tpu.memory_space<vmem>>, vector<16xf32>,
      %parallel_loop3A_55 = vector.broadcast %parallel_loop3A_50 : i32 to vector<16xi32>
      %parallel_loop3A_56 = arith.addi %parallel_loop3A_55, %iota3A : vector<16xi32>
      %parallel_loop3A_57 = arith.constant 17 : i32
      %parallel_loop3A_58 = vector.broadcast %parallel_loop3A_57 : i32 to vector<16xi32>
      %parallel_loop3A_59 = arith.muli %parallel_loop3A_56, %parallel_loop3A_58 : vector<16xi32>
      %parallel_loop3A_60 = arith.constant 0 : i32
      %parallel_loop3A_61 = vector.broadcast %parallel_loop3A_60 : i32 to vector<16xi32>
      %parallel_loop3A_62 = arith.addi %parallel_loop3A_59, %parallel_loop3A_61 : vector<16xi32>
      tpu.vector_store_idx %arg8[%parallel_loop3A_62], %parallel_loop3A_52 : memref<4352xf32, #tpu.memory_space<vmem>>[vector<16xi32>], vector<16xf32>,
      %parallel_loop3A_63 = arith.constant 0 : i32
      %parallel_loop3A_64 = vector.broadcast %parallel_loop3A_63 : i32 to vector<16xi32>
      %parallel_loop3A_65 = arith.addi %parallel_loop3A_59, %parallel_loop3A_64 : vector<16xi32>
      tpu.vector_store_idx %arg9[%parallel_loop3A_65], %parallel_loop3A_54 : memref<4352xf32, #tpu.memory_space<vmem>>[vector<16xi32>], vector<16xf32>,
      %parallel_loop3A_66 = arith.constant 1 : i32
      %parallel_loop3A_67 = vector.broadcast %parallel_loop3A_66 : i32 to vector<16xi32>
      %parallel_loop3A_68 = arith.addi %parallel_loop3A_59, %parallel_loop3A_67 : vector<16xi32>
      tpu.vector_store_idx %arg8[%parallel_loop3A_68], %parallel_loop3A_52 : memref<4352xf32, #tpu.memory_space<vmem>>[vector<16xi32>], vector<16xf32>,
      %parallel_loop3A_69 = arith.constant 1 : i32
      %parallel_loop3A_70 = vector.broadcast %parallel_loop3A_69 : i32 to vector<16xi32>
      %parallel_loop3A_71 = arith.addi %parallel_loop3A_59, %parallel_loop3A_70 : vector<16xi32>
      tpu.vector_store_idx %arg9[%parallel_loop3A_71], %parallel_loop3A_54 : memref<4352xf32, #tpu.memory_space<vmem>>[vector<16xi32>], vector<16xf32>,
      %parallel_loop3A_72 = arith.constant 2 : i32
      %parallel_loop3A_73 = vector.broadcast %parallel_loop3A_72 : i32 to vector<16xi32>
      %parallel_loop3A_74 = arith.addi %parallel_loop3A_59, %parallel_loop3A_73 : vector<16xi32>
      tpu.vector_store_idx %arg8[%parallel_loop3A_74], %parallel_loop3A_52 : memref<4352xf32, #tpu.memory_space<vmem>>[vector<16xi32>], vector<16xf32>,
      %parallel_loop3A_75 = arith.constant 2 : i32
      %parallel_loop3A_76 = vector.broadcast %parallel_loop3A_75 : i32 to vector<16xi32>
      %parallel_loop3A_77 = arith.addi %parallel_loop3A_59, %parallel_loop3A_76 : vector<16xi32>
      tpu.vector_store_idx %arg9[%parallel_loop3A_77], %parallel_loop3A_54 : memref<4352xf32, #tpu.memory_space<vmem>>[vector<16xi32>], vector<16xf32>,
      %parallel_loop3A_78 = arith.constant 3 : i32
      %parallel_loop3A_79 = vector.broadcast %parallel_loop3A_78 : i32 to vector<16xi32>
      %parallel_loop3A_80 = arith.addi %parallel_loop3A_59, %parallel_loop3A_79 : vector<16xi32>
      tpu.vector_store_idx %arg8[%parallel_loop3A_80], %parallel_loop3A_52 : memref<4352xf32, #tpu.memory_space<vmem>>[vector<16xi32>], vector<16xf32>,
      %parallel_loop3A_81 = arith.constant 3 : i32
      %parallel_loop3A_82 = vector.broadcast %parallel_loop3A_81 : i32 to vector<16xi32>
      %parallel_loop3A_83 = arith.addi %parallel_loop3A_59, %parallel_loop3A_82 : vector<16xi32>
      tpu.vector_store_idx %arg9[%parallel_loop3A_83], %parallel_loop3A_54 : memref<4352xf32, #tpu.memory_space<vmem>>[vector<16xi32>], vector<16xf32>,
      %parallel_loop3A_84 = arith.constant 4 : i32
      %parallel_loop3A_85 = vector.broadcast %parallel_loop3A_84 : i32 to vector<16xi32>
      %parallel_loop3A_86 = arith.addi %parallel_loop3A_59, %parallel_loop3A_85 : vector<16xi32>
      tpu.vector_store_idx %arg8[%parallel_loop3A_86], %parallel_loop3A_52 : memref<4352xf32, #tpu.memory_space<vmem>>[vector<16xi32>], vector<16xf32>,
      %parallel_loop3A_87 = arith.constant 4 : i32
      %parallel_loop3A_88 = vector.broadcast %parallel_loop3A_87 : i32 to vector<16xi32>
      %parallel_loop3A_89 = arith.addi %parallel_loop3A_59, %parallel_loop3A_88 : vector<16xi32>
      tpu.vector_store_idx %arg9[%parallel_loop3A_89], %parallel_loop3A_54 : memref<4352xf32, #tpu.memory_space<vmem>>[vector<16xi32>], vector<16xf32>,
      %parallel_loop3A_90 = arith.constant 5 : i32
      %parallel_loop3A_91 = vector.broadcast %parallel_loop3A_90 : i32 to vector<16xi32>
      %parallel_loop3A_92 = arith.addi %parallel_loop3A_59, %parallel_loop3A_91 : vector<16xi32>
      tpu.vector_store_idx %arg8[%parallel_loop3A_92], %parallel_loop3A_52 : memref<4352xf32, #tpu.memory_space<vmem>>[vector<16xi32>], vector<16xf32>,
      %parallel_loop3A_93 = arith.constant 5 : i32
      %parallel_loop3A_94 = vector.broadcast %parallel_loop3A_93 : i32 to vector<16xi32>
      %parallel_loop3A_95 = arith.addi %parallel_loop3A_59, %parallel_loop3A_94 : vector<16xi32>
      tpu.vector_store_idx %arg9[%parallel_loop3A_95], %parallel_loop3A_54 : memref<4352xf32, #tpu.memory_space<vmem>>[vector<16xi32>], vector<16xf32>,
      %parallel_loop3A_96 = arith.constant 6 : i32
      %parallel_loop3A_97 = vector.broadcast %parallel_loop3A_96 : i32 to vector<16xi32>
      %parallel_loop3A_98 = arith.addi %parallel_loop3A_59, %parallel_loop3A_97 : vector<16xi32>
      tpu.vector_store_idx %arg8[%parallel_loop3A_98], %parallel_loop3A_52 : memref<4352xf32, #tpu.memory_space<vmem>>[vector<16xi32>], vector<16xf32>,
      %parallel_loop3A_99 = arith.constant 6 : i32
      %parallel_loop3A_100 = vector.broadcast %parallel_loop3A_99 : i32 to vector<16xi32>
      %parallel_loop3A_101 = arith.addi %parallel_loop3A_59, %parallel_loop3A_100 : vector<16xi32>
      tpu.vector_store_idx %arg9[%parallel_loop3A_101], %parallel_loop3A_54 : memref<4352xf32, #tpu.memory_space<vmem>>[vector<16xi32>], vector<16xf32>,
      %parallel_loop3A_102 = arith.constant 7 : i32
      %parallel_loop3A_103 = vector.broadcast %parallel_loop3A_102 : i32 to vector<16xi32>
      %parallel_loop3A_104 = arith.addi %parallel_loop3A_59, %parallel_loop3A_103 : vector<16xi32>
      tpu.vector_store_idx %arg8[%parallel_loop3A_104], %parallel_loop3A_52 : memref<4352xf32, #tpu.memory_space<vmem>>[vector<16xi32>], vector<16xf32>,
      %parallel_loop3A_105 = arith.constant 7 : i32
      %parallel_loop3A_106 = vector.broadcast %parallel_loop3A_105 : i32 to vector<16xi32>
      %parallel_loop3A_107 = arith.addi %parallel_loop3A_59, %parallel_loop3A_106 : vector<16xi32>
      tpu.vector_store_idx %arg9[%parallel_loop3A_107], %parallel_loop3A_54 : memref<4352xf32, #tpu.memory_space<vmem>>[vector<16xi32>], vector<16xf32>,
      %parallel_loop3A_108 = arith.constant 8 : i32
      %parallel_loop3A_109 = vector.broadcast %parallel_loop3A_108 : i32 to vector<16xi32>
      %parallel_loop3A_110 = arith.addi %parallel_loop3A_59, %parallel_loop3A_109 : vector<16xi32>
      tpu.vector_store_idx %arg8[%parallel_loop3A_110], %parallel_loop3A_52 : memref<4352xf32, #tpu.memory_space<vmem>>[vector<16xi32>], vector<16xf32>,
      %parallel_loop3A_111 = arith.constant 8 : i32
      %parallel_loop3A_112 = vector.broadcast %parallel_loop3A_111 : i32 to vector<16xi32>
      %parallel_loop3A_113 = arith.addi %parallel_loop3A_59, %parallel_loop3A_112 : vector<16xi32>
      tpu.vector_store_idx %arg9[%parallel_loop3A_113], %parallel_loop3A_54 : memref<4352xf32, #tpu.memory_space<vmem>>[vector<16xi32>], vector<16xf32>,
      %parallel_loop3A_114 = arith.constant 9 : i32
      %parallel_loop3A_115 = vector.broadcast %parallel_loop3A_114 : i32 to vector<16xi32>
      %parallel_loop3A_116 = arith.addi %parallel_loop3A_59, %parallel_loop3A_115 : vector<16xi32>
      tpu.vector_store_idx %arg8[%parallel_loop3A_116], %parallel_loop3A_52 : memref<4352xf32, #tpu.memory_space<vmem>>[vector<16xi32>], vector<16xf32>,
      %parallel_loop3A_117 = arith.constant 9 : i32
      %parallel_loop3A_118 = vector.broadcast %parallel_loop3A_117 : i32 to vector<16xi32>
      %parallel_loop3A_119 = arith.addi %parallel_loop3A_59, %parallel_loop3A_118 : vector<16xi32>
      tpu.vector_store_idx %arg9[%parallel_loop3A_119], %parallel_loop3A_54 : memref<4352xf32, #tpu.memory_space<vmem>>[vector<16xi32>], vector<16xf32>,
      %parallel_loop3A_120 = arith.constant 10 : i32
      %parallel_loop3A_121 = vector.broadcast %parallel_loop3A_120 : i32 to vector<16xi32>
      %parallel_loop3A_122 = arith.addi %parallel_loop3A_59, %parallel_loop3A_121 : vector<16xi32>
      tpu.vector_store_idx %arg8[%parallel_loop3A_122], %parallel_loop3A_52 : memref<4352xf32, #tpu.memory_space<vmem>>[vector<16xi32>], vector<16xf32>,
      %parallel_loop3A_123 = arith.constant 10 : i32
      %parallel_loop3A_124 = vector.broadcast %parallel_loop3A_123 : i32 to vector<16xi32>
      %parallel_loop3A_125 = arith.addi %parallel_loop3A_59, %parallel_loop3A_124 : vector<16xi32>
      tpu.vector_store_idx %arg9[%parallel_loop3A_125], %parallel_loop3A_54 : memref<4352xf32, #tpu.memory_space<vmem>>[vector<16xi32>], vector<16xf32>,
      %parallel_loop3A_126 = arith.constant 11 : i32
      %parallel_loop3A_127 = vector.broadcast %parallel_loop3A_126 : i32 to vector<16xi32>
      %parallel_loop3A_128 = arith.addi %parallel_loop3A_59, %parallel_loop3A_127 : vector<16xi32>
      tpu.vector_store_idx %arg8[%parallel_loop3A_128], %parallel_loop3A_52 : memref<4352xf32, #tpu.memory_space<vmem>>[vector<16xi32>], vector<16xf32>,
      %parallel_loop3A_129 = arith.constant 11 : i32
      %parallel_loop3A_130 = vector.broadcast %parallel_loop3A_129 : i32 to vector<16xi32>
      %parallel_loop3A_131 = arith.addi %parallel_loop3A_59, %parallel_loop3A_130 : vector<16xi32>
      tpu.vector_store_idx %arg9[%parallel_loop3A_131], %parallel_loop3A_54 : memref<4352xf32, #tpu.memory_space<vmem>>[vector<16xi32>], vector<16xf32>,
      %parallel_loop3A_132 = arith.constant 12 : i32
      %parallel_loop3A_133 = vector.broadcast %parallel_loop3A_132 : i32 to vector<16xi32>
      %parallel_loop3A_134 = arith.addi %parallel_loop3A_59, %parallel_loop3A_133 : vector<16xi32>
      tpu.vector_store_idx %arg8[%parallel_loop3A_134], %parallel_loop3A_52 : memref<4352xf32, #tpu.memory_space<vmem>>[vector<16xi32>], vector<16xf32>,
      %parallel_loop3A_135 = arith.constant 12 : i32
      %parallel_loop3A_136 = vector.broadcast %parallel_loop3A_135 : i32 to vector<16xi32>
      %parallel_loop3A_137 = arith.addi %parallel_loop3A_59, %parallel_loop3A_136 : vector<16xi32>
      tpu.vector_store_idx %arg9[%parallel_loop3A_137], %parallel_loop3A_54 : memref<4352xf32, #tpu.memory_space<vmem>>[vector<16xi32>], vector<16xf32>,
      %parallel_loop3A_138 = arith.constant 13 : i32
      %parallel_loop3A_139 = vector.broadcast %parallel_loop3A_138 : i32 to vector<16xi32>
      %parallel_loop3A_140 = arith.addi %parallel_loop3A_59, %parallel_loop3A_139 : vector<16xi32>
      tpu.vector_store_idx %arg8[%parallel_loop3A_140], %parallel_loop3A_52 : memref<4352xf32, #tpu.memory_space<vmem>>[vector<16xi32>], vector<16xf32>,
      %parallel_loop3A_141 = arith.constant 13 : i32
      %parallel_loop3A_142 = vector.broadcast %parallel_loop3A_141 : i32 to vector<16xi32>
      %parallel_loop3A_143 = arith.addi %parallel_loop3A_59, %parallel_loop3A_142 : vector<16xi32>
      tpu.vector_store_idx %arg9[%parallel_loop3A_143], %parallel_loop3A_54 : memref<4352xf32, #tpu.memory_space<vmem>>[vector<16xi32>], vector<16xf32>,
      %parallel_loop3A_144 = arith.constant 14 : i32
      %parallel_loop3A_145 = vector.broadcast %parallel_loop3A_144 : i32 to vector<16xi32>
      %parallel_loop3A_146 = arith.addi %parallel_loop3A_59, %parallel_loop3A_145 : vector<16xi32>
      tpu.vector_store_idx %arg8[%parallel_loop3A_146], %parallel_loop3A_52 : memref<4352xf32, #tpu.memory_space<vmem>>[vector<16xi32>], vector<16xf32>,
      %parallel_loop3A_147 = arith.constant 14 : i32
      %parallel_loop3A_148 = vector.broadcast %parallel_loop3A_147 : i32 to vector<16xi32>
      %parallel_loop3A_149 = arith.addi %parallel_loop3A_59, %parallel_loop3A_148 : vector<16xi32>
      tpu.vector_store_idx %arg9[%parallel_loop3A_149], %parallel_loop3A_54 : memref<4352xf32, #tpu.memory_space<vmem>>[vector<16xi32>], vector<16xf32>,
      %parallel_loop3A_150 = arith.constant 15 : i32
      %parallel_loop3A_151 = vector.broadcast %parallel_loop3A_150 : i32 to vector<16xi32>
      %parallel_loop3A_152 = arith.addi %parallel_loop3A_59, %parallel_loop3A_151 : vector<16xi32>
      tpu.vector_store_idx %arg8[%parallel_loop3A_152], %parallel_loop3A_52 : memref<4352xf32, #tpu.memory_space<vmem>>[vector<16xi32>], vector<16xf32>,
      %parallel_loop3A_153 = arith.constant 15 : i32
      %parallel_loop3A_154 = vector.broadcast %parallel_loop3A_153 : i32 to vector<16xi32>
      %parallel_loop3A_155 = arith.addi %parallel_loop3A_59, %parallel_loop3A_154 : vector<16xi32>
      tpu.vector_store_idx %arg9[%parallel_loop3A_155], %parallel_loop3A_54 : memref<4352xf32, #tpu.memory_space<vmem>>[vector<16xi32>], vector<16xf32>,
    } {sc.loop_unroll_factor = 1 : i64, sc.parallel_access}
    %min3A = arith.constant 0 : i32
    %min3A_8 = arith.constant 31 : i32
    %min3A_9 = arith.minsi %min3A, %min3A_8 : i32
    %mul3A_10 = arith.constant 16384 : i32
    %mul3A_11 = arith.muli %min3A_9, %mul3A_10 : i32
    %add3A_12 = arith.addi %mul3A_2, %mul3A_11 : i32
    %dma_start3A = tpu.memref_slice %arg2[%add3A_12] : memref<16777216xf32, #tpu.memory_space<hbm>> -> memref<16384xf32, #tpu.memory_space<hbm>>
    %dma_start3A_13 = tpu.memref_slice %arg2[%add3A_12] : memref<16777216xf32, #tpu.memory_space<hbm>> -> memref<16384xf32, #tpu.memory_space<hbm>>
    tpu.enqueue_dma source(%dma_start3A_13 : memref<16384xf32, #tpu.memory_space<hbm>>) target(%arg10 : memref<16384xf32, #tpu.memory_space<vmem>>) target_semaphore(%arg14 : memref<!tpu.dma_semaphore, #tpu.memory_space<semaphore_mem>>)
    %min3A_14 = arith.constant 1 : i32
    %min3A_15 = arith.constant 31 : i32
    %min3A_16 = arith.minsi %min3A_14, %min3A_15 : i32
    %mul3A_17 = arith.constant 16384 : i32
    %mul3A_18 = arith.muli %min3A_16, %mul3A_17 : i32
    %add3A_19 = arith.addi %mul3A_2, %mul3A_18 : i32
    %dma_start3A_20 = tpu.memref_slice %arg2[%add3A_19] : memref<16777216xf32, #tpu.memory_space<hbm>> -> memref<16384xf32, #tpu.memory_space<hbm>>
    %dma_start3A_21 = tpu.memref_slice %arg2[%add3A_19] : memref<16777216xf32, #tpu.memory_space<hbm>> -> memref<16384xf32, #tpu.memory_space<hbm>>
    tpu.enqueue_dma source(%dma_start3A_21 : memref<16384xf32, #tpu.memory_space<hbm>>) target(%arg12 : memref<16384xf32, #tpu.memory_space<vmem>>) target_semaphore(%arg15 : memref<!tpu.dma_semaphore, #tpu.memory_space<semaphore_mem>>)
    %scan3A = arith.constant 0 : i32
    %scan3A_22 = arith.constant 0 : i32
    %scan3A_23 = arith.constant 16 : i32
    %scan3A_24 = arith.addi %scan3A_22, %scan3A_23 : i32
    %scan3A_25 = arith.constant 1 : i32
    scf.for %scan3A_50 = %scan3A_22 to %scan3A_24 step %scan3A_25  : i32 {
      %mul3A_51 = arith.constant 2 : i32
      %mul3A_52 = arith.muli %mul3A_51, %scan3A_50 : i32
      %add3A_53 = arith.constant 1 : i32
      %add3A_54 = arith.addi %mul3A_52, %add3A_53 : i32
      %min3A_55 = arith.constant 31 : i32
      %min3A_56 = arith.minsi %mul3A_52, %min3A_55 : i32
      %mul3A_57 = arith.constant 16384 : i32
      %mul3A_58 = arith.muli %min3A_56, %mul3A_57 : i32
      %add3A_59 = arith.addi %mul3A_2, %mul3A_58 : i32
      %dma_wait3A_60 = tpu.memref_slice %arg2[%add3A_59] : memref<16777216xf32, #tpu.memory_space<hbm>> -> memref<16384xf32, #tpu.memory_space<hbm>>
      %dma_wait3A_61 = tpu.memref_slice %arg2[%add3A_59] : memref<16777216xf32, #tpu.memory_space<hbm>> -> memref<16384xf32, #tpu.memory_space<hbm>>
      tpu.wait_dma2 semaphore(%arg14 : memref<!tpu.dma_semaphore, #tpu.memory_space<semaphore_mem>>) src(%dma_wait3A_61 : memref<16384xf32, #tpu.memory_space<hbm>>) dst(%arg10 : memref<16384xf32, #tpu.memory_space<vmem>>)
      %gt3A = arith.constant 0 : i32
      %gt3A_62 = arith.cmpi sgt, %scan3A_50, %gt3A : i32
      %convert_element_type3A = arith.extui %gt3A_62 : i1 to i32
      %cond3A = arith.constant 0 : i32
      %cond3A_63 = arith.cmpi ne, %convert_element_type3A, %cond3A : i32
      scf.if %cond3A_63 {
        %mul3A_133 = arith.constant 16384 : i32
        %mul3A_134 = arith.muli %mul3A_52, %mul3A_133 : i32
        %add3A_135 = arith.addi %mul3A_2, %mul3A_134 : i32
        %dma_wait3A_136 = tpu.memref_slice %arg5[%add3A_135] : memref<16777216xf32, #tpu.memory_space<hbm>> -> memref<16384xf32, #tpu.memory_space<hbm>>
        %dma_wait3A_137 = tpu.memref_slice %arg5[%add3A_135] : memref<16777216xf32, #tpu.memory_space<hbm>> -> memref<16384xf32, #tpu.memory_space<hbm>>
        tpu.wait_dma2 semaphore(%arg16 : memref<!tpu.dma_semaphore, #tpu.memory_space<semaphore_mem>>) src(%arg11 : memref<16384xf32, #tpu.memory_space<vmem>>) dst(%dma_wait3A_137 : memref<16384xf32, #tpu.memory_space<hbm>>)
      } else {
      }
      %add3A_64 = arith.constant 2176 : i32
      %add3A_65 = vector.broadcast %add3A_64 : i32 to vector<16xi32>
      %add3A_66 = arith.addi %iota3A, %add3A_65 : vector<16xi32>
      %gather3A = tpu.vector_load_idx %arg8[%add3A_66] : memref<4352xf32, #tpu.memory_space<vmem>>[vector<16xi32>], vector<16xf32>,
      %add3A_67 = arith.constant 1088 : i32
      %add3A_68 = vector.broadcast %add3A_67 : i32 to vector<16xi32>
      %add3A_69 = arith.addi %iota3A, %add3A_68 : vector<16xi32>
      %gather3A_70 = tpu.vector_load_idx %arg8[%add3A_69] : memref<4352xf32, #tpu.memory_space<vmem>>[vector<16xi32>], vector<16xf32>,
      %add3A_71 = arith.constant 3264 : i32
      %add3A_72 = vector.broadcast %add3A_71 : i32 to vector<16xi32>
      %add3A_73 = arith.addi %iota3A, %add3A_72 : vector<16xi32>
      %gather3A_74 = tpu.vector_load_idx %arg8[%add3A_73] : memref<4352xf32, #tpu.memory_space<vmem>>[vector<16xi32>], vector<16xf32>,
      %parallel_loop3A_75 = arith.constant 0 : i32
      %parallel_loop3A_76 = arith.constant 16384 : i32
      %parallel_loop3A_77 = arith.constant 16 : i32
      scf.for %parallel_loop3A_133 = %parallel_loop3A_75 to %parallel_loop3A_76 step %parallel_loop3A_77  : i32 {
        %parallel_loop3A_134 = arith.index_cast %parallel_loop3A_133 : i32 to index
        %parallel_loop3A_135 = tpu.vector_load %arg10[%parallel_loop3A_134] {strides = array<i32>} : memref<16384xf32, #tpu.memory_space<vmem>>, vector<16xf32>,
        %parallel_loop3A_136 = arith.constant 2176 : i32
        %parallel_loop3A_137 = vector.broadcast %parallel_loop3A_136 : i32 to vector<16xi32>
        %parallel_loop3A_138 = arith.addi %iota3A, %parallel_loop3A_137 : vector<16xi32>
        %parallel_loop3A_139 = tpu.vector_load_idx %arg8[%parallel_loop3A_138] : memref<4352xf32, #tpu.memory_space<vmem>>[vector<16xi32>], vector<16xf32>,
        %parallel_loop3A_140 = arith.cmpf ole, %parallel_loop3A_139, %parallel_loop3A_135 : vector<16xf32>
        %parallel_loop3A_141 = arith.select %parallel_loop3A_140, %parallel_loop3A_138, %iota3A : vector<16xi1>, vector<16xi32>
        %parallel_loop3A_142 = arith.constant 1088 : i32
        %parallel_loop3A_143 = vector.broadcast %parallel_loop3A_142 : i32 to vector<16xi32>
        %parallel_loop3A_144 = arith.addi %parallel_loop3A_141, %parallel_loop3A_143 : vector<16xi32>
        %parallel_loop3A_145 = tpu.vector_load_idx %arg8[%parallel_loop3A_144] : memref<4352xf32, #tpu.memory_space<vmem>>[vector<16xi32>], vector<16xf32>,
        %parallel_loop3A_146 = arith.cmpf ole, %parallel_loop3A_145, %parallel_loop3A_135 : vector<16xf32>
        %parallel_loop3A_147 = arith.select %parallel_loop3A_146, %parallel_loop3A_144, %parallel_loop3A_141 : vector<16xi1>, vector<16xi32>
        %parallel_loop3A_148 = arith.constant 544 : i32
        %parallel_loop3A_149 = vector.broadcast %parallel_loop3A_148 : i32 to vector<16xi32>
        %parallel_loop3A_150 = arith.addi %parallel_loop3A_147, %parallel_loop3A_149 : vector<16xi32>
        %parallel_loop3A_151 = tpu.vector_load_idx %arg8[%parallel_loop3A_150] : memref<4352xf32, #tpu.memory_space<vmem>>[vector<16xi32>], vector<16xf32>,
        %parallel_loop3A_152 = arith.cmpf ole, %parallel_loop3A_151, %parallel_loop3A_135 : vector<16xf32>
        %parallel_loop3A_153 = arith.select %parallel_loop3A_152, %parallel_loop3A_150, %parallel_loop3A_147 : vector<16xi1>, vector<16xi32>
        %parallel_loop3A_154 = arith.constant 272 : i32
        %parallel_loop3A_155 = vector.broadcast %parallel_loop3A_154 : i32 to vector<16xi32>
        %parallel_loop3A_156 = arith.addi %parallel_loop3A_153, %parallel_loop3A_155 : vector<16xi32>
        %parallel_loop3A_157 = tpu.vector_load_idx %arg8[%parallel_loop3A_156] : memref<4352xf32, #tpu.memory_space<vmem>>[vector<16xi32>], vector<16xf32>,
        %parallel_loop3A_158 = arith.cmpf ole, %parallel_loop3A_157, %parallel_loop3A_135 : vector<16xf32>
        %parallel_loop3A_159 = arith.select %parallel_loop3A_158, %parallel_loop3A_156, %parallel_loop3A_153 : vector<16xi1>, vector<16xi32>
        %parallel_loop3A_160 = arith.constant 136 : i32
        %parallel_loop3A_161 = vector.broadcast %parallel_loop3A_160 : i32 to vector<16xi32>
        %parallel_loop3A_162 = arith.addi %parallel_loop3A_159, %parallel_loop3A_161 : vector<16xi32>
        %parallel_loop3A_163 = tpu.vector_load_idx %arg8[%parallel_loop3A_162] : memref<4352xf32, #tpu.memory_space<vmem>>[vector<16xi32>], vector<16xf32>,
        %parallel_loop3A_164 = arith.cmpf ole, %parallel_loop3A_163, %parallel_loop3A_135 : vector<16xf32>
        %parallel_loop3A_165 = arith.select %parallel_loop3A_164, %parallel_loop3A_162, %parallel_loop3A_159 : vector<16xi1>, vector<16xi32>
        %parallel_loop3A_166 = arith.constant 68 : i32
        %parallel_loop3A_167 = vector.broadcast %parallel_loop3A_166 : i32 to vector<16xi32>
        %parallel_loop3A_168 = arith.addi %parallel_loop3A_165, %parallel_loop3A_167 : vector<16xi32>
        %parallel_loop3A_169 = tpu.vector_load_idx %arg8[%parallel_loop3A_168] : memref<4352xf32, #tpu.memory_space<vmem>>[vector<16xi32>], vector<16xf32>,
        %parallel_loop3A_170 = arith.cmpf ole, %parallel_loop3A_169, %parallel_loop3A_135 : vector<16xf32>
        %parallel_loop3A_171 = arith.select %parallel_loop3A_170, %parallel_loop3A_168, %parallel_loop3A_165 : vector<16xi1>, vector<16xi32>
        %parallel_loop3A_172 = arith.constant 34 : i32
        %parallel_loop3A_173 = vector.broadcast %parallel_loop3A_172 : i32 to vector<16xi32>
        %parallel_loop3A_174 = arith.addi %parallel_loop3A_171, %parallel_loop3A_173 : vector<16xi32>
        %parallel_loop3A_175 = tpu.vector_load_idx %arg8[%parallel_loop3A_174] : memref<4352xf32, #tpu.memory_space<vmem>>[vector<16xi32>], vector<16xf32>,
        %parallel_loop3A_176 = arith.cmpf ole, %parallel_loop3A_175, %parallel_loop3A_135 : vector<16xf32>
        %parallel_loop3A_177 = arith.select %parallel_loop3A_176, %parallel_loop3A_174, %parallel_loop3A_171 : vector<16xi1>, vector<16xi32>
        %parallel_loop3A_178 = arith.constant 17 : i32
        %parallel_loop3A_179 = vector.broadcast %parallel_loop3A_178 : i32 to vector<16xi32>
        %parallel_loop3A_180 = arith.addi %parallel_loop3A_177, %parallel_loop3A_179 : vector<16xi32>
        %parallel_loop3A_181 = tpu.vector_load_idx %arg8[%parallel_loop3A_180] : memref<4352xf32, #tpu.memory_space<vmem>>[vector<16xi32>], vector<16xf32>,
        %parallel_loop3A_182 = arith.cmpf ole, %parallel_loop3A_181, %parallel_loop3A_135 : vector<16xf32>
        %parallel_loop3A_183 = arith.select %parallel_loop3A_182, %parallel_loop3A_180, %parallel_loop3A_177 : vector<16xi1>, vector<16xi32>
        %parallel_loop3A_184 = tpu.vector_load_idx %arg8[%parallel_loop3A_183] : memref<4352xf32, #tpu.memory_space<vmem>>[vector<16xi32>], vector<16xf32>,
        %parallel_loop3A_185 = tpu.vector_load_idx %arg9[%parallel_loop3A_183] : memref<4352xf32, #tpu.memory_space<vmem>>[vector<16xi32>], vector<16xf32>,
        %parallel_loop3A_186 = arith.subf %parallel_loop3A_135, %parallel_loop3A_184 : vector<16xf32>
        %parallel_loop3A_187 = arith.mulf %parallel_loop3A_186, %parallel_loop3A_185 : vector<16xf32>
        %parallel_loop3A_188 = arith.constant 0.000000e+00 : f32
        %parallel_loop3A_189 = vector.broadcast %parallel_loop3A_188 : f32 to vector<16xf32>
        %parallel_loop3A_190 = arith.maximumf %parallel_loop3A_187, %parallel_loop3A_189 : vector<16xf32>
        %parallel_loop3A_191 = arith.constant 0.00784313772 : f32
        %parallel_loop3A_192 = vector.broadcast %parallel_loop3A_191 : f32 to vector<16xf32>
        %parallel_loop3A_193 = arith.minimumf %parallel_loop3A_190, %parallel_loop3A_192 : vector<16xf32>
        %parallel_loop3A_194 = arith.subi %parallel_loop3A_183, %iota3A : vector<16xi32>
        %parallel_loop3A_195 = arith.sitofp %parallel_loop3A_194 : vector<16xi32> to vector<16xf32>
        %parallel_loop3A_196 = arith.constant 4.61361022E-4 : f32
        %parallel_loop3A_197 = vector.broadcast %parallel_loop3A_196 : f32 to vector<16xf32>
        %parallel_loop3A_198 = arith.mulf %parallel_loop3A_195, %parallel_loop3A_197 : vector<16xf32>
        %parallel_loop3A_199 = arith.addf %parallel_loop3A_198, %parallel_loop3A_193 : vector<16xf32>
        %parallel_loop3A_200 = arith.constant 1.000000e+00 : f32
        %parallel_loop3A_201 = vector.broadcast %parallel_loop3A_200 : f32 to vector<16xf32>
        %parallel_loop3A_202 = arith.subf %parallel_loop3A_199, %parallel_loop3A_201 : vector<16xf32>
        %parallel_loop3A_203 = arith.index_cast %parallel_loop3A_133 : i32 to index
        %parallel_loop3A_204 = tpu.vector_load %arg11[%parallel_loop3A_203] {strides = array<i32>} : memref<16384xf32, #tpu.memory_space<vmem>>, vector<16xf32>,
        tpu.vector_store %arg11[%parallel_loop3A_203], %parallel_loop3A_202 {strides = array<i32>} : memref<16384xf32, #tpu.memory_space<vmem>>, vector<16xf32>,
      } {sc.loop_unroll_factor = 2 : i64, sc.parallel_access}
      %mul3A_78 = arith.constant 16384 : i32
      %mul3A_79 = arith.muli %mul3A_52, %mul3A_78 : i32
      %add3A_80 = arith.addi %mul3A_2, %mul3A_79 : i32
      %dma_start3A_81 = tpu.memref_slice %arg5[%add3A_80] : memref<16777216xf32, #tpu.memory_space<hbm>> -> memref<16384xf32, #tpu.memory_space<hbm>>
      %dma_start3A_82 = tpu.memref_slice %arg5[%add3A_80] : memref<16777216xf32, #tpu.memory_space<hbm>> -> memref<16384xf32, #tpu.memory_space<hbm>>
      tpu.enqueue_dma source(%arg11 : memref<16384xf32, #tpu.memory_space<vmem>>) target(%dma_start3A_82 : memref<16384xf32, #tpu.memory_space<hbm>>) target_semaphore(%arg16 : memref<!tpu.dma_semaphore, #tpu.memory_space<semaphore_mem>>)
      %add3A_83 = arith.constant 2 : i32
      %add3A_84 = arith.addi %mul3A_52, %add3A_83 : i32
      %min3A_85 = arith.constant 31 : i32
      %min3A_86 = arith.minsi %add3A_84, %min3A_85 : i32
      %mul3A_87 = arith.constant 16384 : i32
      %mul3A_88 = arith.muli %min3A_86, %mul3A_87 : i32
      %add3A_89 = arith.addi %mul3A_2, %mul3A_88 : i32
      %dma_start3A_90 = tpu.memref_slice %arg2[%add3A_89] : memref<16777216xf32, #tpu.memory_space<hbm>> -> memref<16384xf32, #tpu.memory_space<hbm>>
      %dma_start3A_91 = tpu.memref_slice %arg2[%add3A_89] : memref<16777216xf32, #tpu.memory_space<hbm>> -> memref<16384xf32, #tpu.memory_space<hbm>>
      tpu.enqueue_dma source(%dma_start3A_91 : memref<16384xf32, #tpu.memory_space<hbm>>) target(%arg10 : memref<16384xf32, #tpu.memory_space<vmem>>) target_semaphore(%arg14 : memref<!tpu.dma_semaphore, #tpu.memory_space<semaphore_mem>>)
      %min3A_92 = arith.constant 31 : i32
      %min3A_93 = arith.minsi %add3A_54, %min3A_92 : i32
      %mul3A_94 = arith.constant 16384 : i32
      %mul3A_95 = arith.muli %min3A_93, %mul3A_94 : i32
      %add3A_96 = arith.addi %mul3A_2, %mul3A_95 : i32
      %dma_wait3A_97 = tpu.memref_slice %arg2[%add3A_96] : memref<16777216xf32, #tpu.memory_space<hbm>> -> memref<16384xf32, #tpu.memory_space<hbm>>
      %dma_wait3A_98 = tpu.memref_slice %arg2[%add3A_96] : memref<16777216xf32, #tpu.memory_space<hbm>> -> memref<16384xf32, #tpu.memory_space<hbm>>
      tpu.wait_dma2 semaphore(%arg15 : memref<!tpu.dma_semaphore, #tpu.memory_space<semaphore_mem>>) src(%dma_wait3A_98 : memref<16384xf32, #tpu.memory_space<hbm>>) dst(%arg12 : memref<16384xf32, #tpu.memory_space<vmem>>)
      %gt3A_99 = arith.constant 0 : i32
      %gt3A_100 = arith.cmpi sgt, %scan3A_50, %gt3A_99 : i32
      %convert_element_type3A_101 = arith.extui %gt3A_100 : i1 to i32
      %cond3A_102 = arith.constant 0 : i32
      %cond3A_103 = arith.cmpi ne, %convert_element_type3A_101, %cond3A_102 : i32
      scf.if %cond3A_103 {
        %mul3A_133 = arith.constant 16384 : i32
        %mul3A_134 = arith.muli %add3A_54, %mul3A_133 : i32
        %add3A_135 = arith.addi %mul3A_2, %mul3A_134 : i32
        %dma_wait3A_136 = tpu.memref_slice %arg5[%add3A_135] : memref<16777216xf32, #tpu.memory_space<hbm>> -> memref<16384xf32, #tpu.memory_space<hbm>>
        %dma_wait3A_137 = tpu.memref_slice %arg5[%add3A_135] : memref<16777216xf32, #tpu.memory_space<hbm>> -> memref<16384xf32, #tpu.memory_space<hbm>>
        tpu.wait_dma2 semaphore(%arg17 : memref<!tpu.dma_semaphore, #tpu.memory_space<semaphore_mem>>) src(%arg13 : memref<16384xf32, #tpu.memory_space<vmem>>) dst(%dma_wait3A_137 : memref<16384xf32, #tpu.memory_space<hbm>>)
      } else {
      }
      %add3A_104 = arith.constant 2176 : i32
      %add3A_105 = vector.broadcast %add3A_104 : i32 to vector<16xi32>
      %add3A_106 = arith.addi %iota3A, %add3A_105 : vector<16xi32>
      %gather3A_107 = tpu.vector_load_idx %arg8[%add3A_106] : memref<4352xf32, #tpu.memory_space<vmem>>[vector<16xi32>], vector<16xf32>,
      %add3A_108 = arith.constant 1088 : i32
      %add3A_109 = vector.broadcast %add3A_108 : i32 to vector<16xi32>
      %add3A_110 = arith.addi %iota3A, %add3A_109 : vector<16xi32>
      %gather3A_111 = tpu.vector_load_idx %arg8[%add3A_110] : memref<4352xf32, #tpu.memory_space<vmem>>[vector<16xi32>], vector<16xf32>,
      %add3A_112 = arith.constant 3264 : i32
      %add3A_113 = vector.broadcast %add3A_112 : i32 to vector<16xi32>
      %add3A_114 = arith.addi %iota3A, %add3A_113 : vector<16xi32>
      %gather3A_115 = tpu.vector_load_idx %arg8[%add3A_114] : memref<4352xf32, #tpu.memory_space<vmem>>[vector<16xi32>], vector<16xf32>,
      %parallel_loop3A_116 = arith.constant 0 : i32
      %parallel_loop3A_117 = arith.constant 16384 : i32
      %parallel_loop3A_118 = arith.constant 16 : i32
      scf.for %parallel_loop3A_133 = %parallel_loop3A_116 to %parallel_loop3A_117 step %parallel_loop3A_118  : i32 {
        %parallel_loop3A_134 = arith.index_cast %parallel_loop3A_133 : i32 to index
        %parallel_loop3A_135 = tpu.vector_load %arg12[%parallel_loop3A_134] {strides = array<i32>} : memref<16384xf32, #tpu.memory_space<vmem>>, vector<16xf32>,
        %parallel_loop3A_136 = arith.constant 2176 : i32
        %parallel_loop3A_137 = vector.broadcast %parallel_loop3A_136 : i32 to vector<16xi32>
        %parallel_loop3A_138 = arith.addi %iota3A, %parallel_loop3A_137 : vector<16xi32>
        %parallel_loop3A_139 = tpu.vector_load_idx %arg8[%parallel_loop3A_138] : memref<4352xf32, #tpu.memory_space<vmem>>[vector<16xi32>], vector<16xf32>,
        %parallel_loop3A_140 = arith.cmpf ole, %parallel_loop3A_139, %parallel_loop3A_135 : vector<16xf32>
        %parallel_loop3A_141 = arith.select %parallel_loop3A_140, %parallel_loop3A_138, %iota3A : vector<16xi1>, vector<16xi32>
        %parallel_loop3A_142 = arith.constant 1088 : i32
        %parallel_loop3A_143 = vector.broadcast %parallel_loop3A_142 : i32 to vector<16xi32>
        %parallel_loop3A_144 = arith.addi %parallel_loop3A_141, %parallel_loop3A_143 : vector<16xi32>
        %parallel_loop3A_145 = tpu.vector_load_idx %arg8[%parallel_loop3A_144] : memref<4352xf32, #tpu.memory_space<vmem>>[vector<16xi32>], vector<16xf32>,
        %parallel_loop3A_146 = arith.cmpf ole, %parallel_loop3A_145, %parallel_loop3A_135 : vector<16xf32>
        %parallel_loop3A_147 = arith.select %parallel_loop3A_146, %parallel_loop3A_144, %parallel_loop3A_141 : vector<16xi1>, vector<16xi32>
        %parallel_loop3A_148 = arith.constant 544 : i32
        %parallel_loop3A_149 = vector.broadcast %parallel_loop3A_148 : i32 to vector<16xi32>
        %parallel_loop3A_150 = arith.addi %parallel_loop3A_147, %parallel_loop3A_149 : vector<16xi32>
        %parallel_loop3A_151 = tpu.vector_load_idx %arg8[%parallel_loop3A_150] : memref<4352xf32, #tpu.memory_space<vmem>>[vector<16xi32>], vector<16xf32>,
        %parallel_loop3A_152 = arith.cmpf ole, %parallel_loop3A_151, %parallel_loop3A_135 : vector<16xf32>
        %parallel_loop3A_153 = arith.select %parallel_loop3A_152, %parallel_loop3A_150, %parallel_loop3A_147 : vector<16xi1>, vector<16xi32>
        %parallel_loop3A_154 = arith.constant 272 : i32
        %parallel_loop3A_155 = vector.broadcast %parallel_loop3A_154 : i32 to vector<16xi32>
        %parallel_loop3A_156 = arith.addi %parallel_loop3A_153, %parallel_loop3A_155 : vector<16xi32>
        %parallel_loop3A_157 = tpu.vector_load_idx %arg8[%parallel_loop3A_156] : memref<4352xf32, #tpu.memory_space<vmem>>[vector<16xi32>], vector<16xf32>,
        %parallel_loop3A_158 = arith.cmpf ole, %parallel_loop3A_157, %parallel_loop3A_135 : vector<16xf32>
        %parallel_loop3A_159 = arith.select %parallel_loop3A_158, %parallel_loop3A_156, %parallel_loop3A_153 : vector<16xi1>, vector<16xi32>
        %parallel_loop3A_160 = arith.constant 136 : i32
        %parallel_loop3A_161 = vector.broadcast %parallel_loop3A_160 : i32 to vector<16xi32>
        %parallel_loop3A_162 = arith.addi %parallel_loop3A_159, %parallel_loop3A_161 : vector<16xi32>
        %parallel_loop3A_163 = tpu.vector_load_idx %arg8[%parallel_loop3A_162] : memref<4352xf32, #tpu.memory_space<vmem>>[vector<16xi32>], vector<16xf32>,
        %parallel_loop3A_164 = arith.cmpf ole, %parallel_loop3A_163, %parallel_loop3A_135 : vector<16xf32>
        %parallel_loop3A_165 = arith.select %parallel_loop3A_164, %parallel_loop3A_162, %parallel_loop3A_159 : vector<16xi1>, vector<16xi32>
        %parallel_loop3A_166 = arith.constant 68 : i32
        %parallel_loop3A_167 = vector.broadcast %parallel_loop3A_166 : i32 to vector<16xi32>
        %parallel_loop3A_168 = arith.addi %parallel_loop3A_165, %parallel_loop3A_167 : vector<16xi32>
        %parallel_loop3A_169 = tpu.vector_load_idx %arg8[%parallel_loop3A_168] : memref<4352xf32, #tpu.memory_space<vmem>>[vector<16xi32>], vector<16xf32>,
        %parallel_loop3A_170 = arith.cmpf ole, %parallel_loop3A_169, %parallel_loop3A_135 : vector<16xf32>
        %parallel_loop3A_171 = arith.select %parallel_loop3A_170, %parallel_loop3A_168, %parallel_loop3A_165 : vector<16xi1>, vector<16xi32>
        %parallel_loop3A_172 = arith.constant 34 : i32
        %parallel_loop3A_173 = vector.broadcast %parallel_loop3A_172 : i32 to vector<16xi32>
        %parallel_loop3A_174 = arith.addi %parallel_loop3A_171, %parallel_loop3A_173 : vector<16xi32>
        %parallel_loop3A_175 = tpu.vector_load_idx %arg8[%parallel_loop3A_174] : memref<4352xf32, #tpu.memory_space<vmem>>[vector<16xi32>], vector<16xf32>,
        %parallel_loop3A_176 = arith.cmpf ole, %parallel_loop3A_175, %parallel_loop3A_135 : vector<16xf32>
        %parallel_loop3A_177 = arith.select %parallel_loop3A_176, %parallel_loop3A_174, %parallel_loop3A_171 : vector<16xi1>, vector<16xi32>
        %parallel_loop3A_178 = arith.constant 17 : i32
        %parallel_loop3A_179 = vector.broadcast %parallel_loop3A_178 : i32 to vector<16xi32>
        %parallel_loop3A_180 = arith.addi %parallel_loop3A_177, %parallel_loop3A_179 : vector<16xi32>
        %parallel_loop3A_181 = tpu.vector_load_idx %arg8[%parallel_loop3A_180] : memref<4352xf32, #tpu.memory_space<vmem>>[vector<16xi32>], vector<16xf32>,
        %parallel_loop3A_182 = arith.cmpf ole, %parallel_loop3A_181, %parallel_loop3A_135 : vector<16xf32>
        %parallel_loop3A_183 = arith.select %parallel_loop3A_182, %parallel_loop3A_180, %parallel_loop3A_177 : vector<16xi1>, vector<16xi32>
        %parallel_loop3A_184 = tpu.vector_load_idx %arg8[%parallel_loop3A_183] : memref<4352xf32, #tpu.memory_space<vmem>>[vector<16xi32>], vector<16xf32>,
        %parallel_loop3A_185 = tpu.vector_load_idx %arg9[%parallel_loop3A_183] : memref<4352xf32, #tpu.memory_space<vmem>>[vector<16xi32>], vector<16xf32>,
        %parallel_loop3A_186 = arith.subf %parallel_loop3A_135, %parallel_loop3A_184 : vector<16xf32>
        %parallel_loop3A_187 = arith.mulf %parallel_loop3A_186, %parallel_loop3A_185 : vector<16xf32>
        %parallel_loop3A_188 = arith.constant 0.000000e+00 : f32
        %parallel_loop3A_189 = vector.broadcast %parallel_loop3A_188 : f32 to vector<16xf32>
        %parallel_loop3A_190 = arith.maximumf %parallel_loop3A_187, %parallel_loop3A_189 : vector<16xf32>
        %parallel_loop3A_191 = arith.constant 0.00784313772 : f32
        %parallel_loop3A_192 = vector.broadcast %parallel_loop3A_191 : f32 to vector<16xf32>
        %parallel_loop3A_193 = arith.minimumf %parallel_loop3A_190, %parallel_loop3A_192 : vector<16xf32>
        %parallel_loop3A_194 = arith.subi %parallel_loop3A_183, %iota3A : vector<16xi32>
        %parallel_loop3A_195 = arith.sitofp %parallel_loop3A_194 : vector<16xi32> to vector<16xf32>
        %parallel_loop3A_196 = arith.constant 4.61361022E-4 : f32
        %parallel_loop3A_197 = vector.broadcast %parallel_loop3A_196 : f32 to vector<16xf32>
        %parallel_loop3A_198 = arith.mulf %parallel_loop3A_195, %parallel_loop3A_197 : vector<16xf32>
        %parallel_loop3A_199 = arith.addf %parallel_loop3A_198, %parallel_loop3A_193 : vector<16xf32>
        %parallel_loop3A_200 = arith.constant 1.000000e+00 : f32
        %parallel_loop3A_201 = vector.broadcast %parallel_loop3A_200 : f32 to vector<16xf32>
        %parallel_loop3A_202 = arith.subf %parallel_loop3A_199, %parallel_loop3A_201 : vector<16xf32>
        %parallel_loop3A_203 = arith.index_cast %parallel_loop3A_133 : i32 to index
        %parallel_loop3A_204 = tpu.vector_load %arg13[%parallel_loop3A_203] {strides = array<i32>} : memref<16384xf32, #tpu.memory_space<vmem>>, vector<16xf32>,
        tpu.vector_store %arg13[%parallel_loop3A_203], %parallel_loop3A_202 {strides = array<i32>} : memref<16384xf32, #tpu.memory_space<vmem>>, vector<16xf32>,
      } {sc.loop_unroll_factor = 2 : i64, sc.parallel_access}
      %mul3A_119 = arith.constant 16384 : i32
      %mul3A_120 = arith.muli %add3A_54, %mul3A_119 : i32
      %add3A_121 = arith.addi %mul3A_2, %mul3A_120 : i32
      %dma_start3A_122 = tpu.memref_slice %arg5[%add3A_121] : memref<16777216xf32, #tpu.memory_space<hbm>> -> memref<16384xf32, #tpu.memory_space<hbm>>
      %dma_start3A_123 = tpu.memref_slice %arg5[%add3A_121] : memref<16777216xf32, #tpu.memory_space<hbm>> -> memref<16384xf32, #tpu.memory_space<hbm>>
      tpu.enqueue_dma source(%arg13 : memref<16384xf32, #tpu.memory_space<vmem>>) target(%dma_start3A_123 : memref<16384xf32, #tpu.memory_space<hbm>>) target_semaphore(%arg17 : memref<!tpu.dma_semaphore, #tpu.memory_space<semaphore_mem>>)
      %add3A_124 = arith.constant 2 : i32
      %add3A_125 = arith.addi %add3A_54, %add3A_124 : i32
      %min3A_126 = arith.constant 31 : i32
      %min3A_127 = arith.minsi %add3A_125, %min3A_126 : i32
      %mul3A_128 = arith.constant 16384 : i32
      %mul3A_129 = arith.muli %min3A_127, %mul3A_128 : i32
      %add3A_130 = arith.addi %mul3A_2, %mul3A_129 : i32
      %dma_start3A_131 = tpu.memref_slice %arg2[%add3A_130] : memref<16777216xf32, #tpu.memory_space<hbm>> -> memref<16384xf32, #tpu.memory_space<hbm>>
      %dma_start3A_132 = tpu.memref_slice %arg2[%add3A_130] : memref<16777216xf32, #tpu.memory_space<hbm>> -> memref<16384xf32, #tpu.memory_space<hbm>>
      tpu.enqueue_dma source(%dma_start3A_132 : memref<16384xf32, #tpu.memory_space<hbm>>) target(%arg12 : memref<16384xf32, #tpu.memory_space<vmem>>) target_semaphore(%arg15 : memref<!tpu.dma_semaphore, #tpu.memory_space<semaphore_mem>>)
    }
    %scan3A_26 = arith.constant 16 : i32
    %add3A_27 = arith.constant 491520 : i32
    %add3A_28 = arith.addi %mul3A_2, %add3A_27 : i32
    %dma_wait3A = tpu.memref_slice %arg5[%add3A_28] : memref<16777216xf32, #tpu.memory_space<hbm>> -> memref<16384xf32, #tpu.memory_space<hbm>>
    %dma_wait3A_29 = tpu.memref_slice %arg5[%add3A_28] : memref<16777216xf32, #tpu.memory_space<hbm>> -> memref<16384xf32, #tpu.memory_space<hbm>>
    tpu.wait_dma2 semaphore(%arg16 : memref<!tpu.dma_semaphore, #tpu.memory_space<semaphore_mem>>) src(%arg11 : memref<16384xf32, #tpu.memory_space<vmem>>) dst(%dma_wait3A_29 : memref<16384xf32, #tpu.memory_space<hbm>>)
    %add3A_30 = arith.constant 507904 : i32
    %add3A_31 = arith.addi %mul3A_2, %add3A_30 : i32
    %dma_wait3A_32 = tpu.memref_slice %arg5[%add3A_31] : memref<16777216xf32, #tpu.memory_space<hbm>> -> memref<16384xf32, #tpu.memory_space<hbm>>
    %dma_wait3A_33 = tpu.memref_slice %arg5[%add3A_31] : memref<16777216xf32, #tpu.memory_space<hbm>> -> memref<16384xf32, #tpu.memory_space<hbm>>
    tpu.wait_dma2 semaphore(%arg17 : memref<!tpu.dma_semaphore, #tpu.memory_space<semaphore_mem>>) src(%arg13 : memref<16384xf32, #tpu.memory_space<vmem>>) dst(%dma_wait3A_33 : memref<16384xf32, #tpu.memory_space<hbm>>)
    %min3A_34 = arith.constant 31 : i32
    %min3A_35 = arith.constant 31 : i32
    %min3A_36 = arith.minsi %min3A_34, %min3A_35 : i32
    %mul3A_37 = arith.constant 16384 : i32
    %mul3A_38 = arith.muli %min3A_36, %mul3A_37 : i32
    %add3A_39 = arith.addi %mul3A_2, %mul3A_38 : i32
    %dma_wait3A_40 = tpu.memref_slice %arg2[%add3A_39] : memref<16777216xf32, #tpu.memory_space<hbm>> -> memref<16384xf32, #tpu.memory_space<hbm>>
    %dma_wait3A_41 = tpu.memref_slice %arg2[%add3A_39] : memref<16777216xf32, #tpu.memory_space<hbm>> -> memref<16384xf32, #tpu.memory_space<hbm>>
    tpu.wait_dma2 semaphore(%arg14 : memref<!tpu.dma_semaphore, #tpu.memory_space<semaphore_mem>>) src(%dma_wait3A_41 : memref<16384xf32, #tpu.memory_space<hbm>>) dst(%arg10 : memref<16384xf32, #tpu.memory_space<vmem>>)
    %min3A_42 = arith.constant 31 : i32
    %min3A_43 = arith.constant 31 : i32
    %min3A_44 = arith.minsi %min3A_42, %min3A_43 : i32
    %mul3A_45 = arith.constant 16384 : i32
    %mul3A_46 = arith.muli %min3A_44, %mul3A_45 : i32
    %add3A_47 = arith.addi %mul3A_2, %mul3A_46 : i32
    %dma_wait3A_48 = tpu.memref_slice %arg2[%add3A_47] : memref<16777216xf32, #tpu.memory_space<hbm>> -> memref<16384xf32, #tpu.memory_space<hbm>>
    %dma_wait3A_49 = tpu.memref_slice %arg2[%add3A_47] : memref<16777216xf32, #tpu.memory_space<hbm>> -> memref<16384xf32, #tpu.memory_space<hbm>>
    tpu.wait_dma2 semaphore(%arg15 : memref<!tpu.dma_semaphore, #tpu.memory_space<semaphore_mem>>) src(%dma_wait3A_49 : memref<16384xf32, #tpu.memory_space<hbm>>) dst(%arg12 : memref<16384xf32, #tpu.memory_space<vmem>>)
    return
  }
}

</mosaic_0001>

<sc_bundles>
// kernel: kernel.3.cloned.1.call-start
scs
__scs_entry_jumppad:
0x0: {  	(pc) =	sbr.rel $0x88, $3  }
0x1: {  	(tag) =	ssettag $0x0;
	lr =	simm.s32 $0x1  }
0x2: {  	[smem:$0x3F9E] =	sst lr;
	_ =	strace $0xD0000000  }
0x3: {  	_ = 	snop  }
0x4: {  	_ = 	snop  }
0x5: {  	_ = 	snop  }
0x6: {  	_ = 	snop  }
0x7: {  	_ = 	snop  }
__scs_overlays_trampoline_lowered:
0x8: {  	[smem:$0x3FAD] =	sst s0  }
0x9: {  	[smem:$0x3FAE] =	sst s1  }
0xa: {  	[smem:$0x3FAF] =	sst s2  }
0xb: {  	[smem:$0x3FB0] =	sst s3  }
0xc: {  	[smem:$0x3FB1] =	sst s4  }
0xd: {  	[smem:$0x3FB2] =	sst s5  }
0xe: {  	[smem:$0x3FB3] =	sst s6  }
0xf: {  	[smem:$0x3FB4] =	sst s7  }
0x10: {  	[smem:$0x3FB5] =	sst s8  }
0x11: {  	[smem:$0x3FB6] =	sst s9;
	s0 =	simm.s32 @!p0 $0x0  }
0x12: {  	s1 =	sld [smem:$0x3F9C];
	s0 =	simm.s32 @p0 $0x1  }
0x13: {  	[smem:$0x3FB7] =	sst s0;
	s0 =	simm.s32 @!p1 $0x0  }
0x14: {  	s2 =	sld [smem:$0x3F9B];
	s0 =	simm.s32 @p1 $0x1  }
0x15: {  	[smem:$0x3FB8] =	sst s0;
	s0 =	simm.s32 @!p2 $0x0  }
0x16: {  	s3 =	sld [smem:$0x3FDB];
	s0 =	simm.s32 @p2 $0x1  }
0x17: {  	s4 =	simm.s32 $0x1BF5;
	[smem:$0x3FBA] =	sst s0  }
0x18: {  	s0 =	sld [smem:$0x3F9D];
	_ =	swait.ge [sflag:s4], $0x0  }
0x19: {  	s7 =	sld [smem:$0x3F9E]  }
0x1a: {  	s8 =	sadd.s32 $0xFFFFE003, lr  }
0x1b: {  	s9 =	sadd.s32 $0xFFFFFEF7, lr;
	s5 =	simm.s32 $0xFFFFFFFF;
	p2 =	slt.u32 s8, $0xFFFFF086  }
0x1c: {  	p1 =	slt.u32 s9, $0xF7A;
	s5 =	simm.s32 @!p2 $0x0  }
0x1d: {  	s5 =	simm.s32 @p1 $0x1;
	p0 =	seq.s32 s7, s2  }
0x1e: {  	s7 =	smul.u32 @!p0 $0xF7A, s2;
	p2 =	seq.s32 @!p0 s5, $0x0  }
0x1f: {  	s9 =	smul.u32 $0xF7A, s1;
	s8 =	simm.s32 @!p0 $0x1BF5;
	p2 =	por !p2, p0  }
0x20: {  	[sflag:s8] =	ssyncset.s32 @!p0 $0xFFFFF086;
	s6 =	sadd.s32 @!p0 s3, s7;
	s7 =	simm.s32 @!p0 $0x108  }
0x21: {  	s3 =	sadd.s32 s3, s9;
	s6 =	sadd.s32 @!p0 $0x88, s6;
	s7 =	simm.s32 @p2 $0x1082  }
0x22: {  	[simem:s7], [sflag:s8] =	dma.local @!p0 [hbm:s6], $0xF7A  }
0x23: {  	s9 =	sor.u32 $0xD0000000, s2;
	s6 =	simm.s32 $0x108;
	_ =	swait.ge @!p0 [sflag:s8], $0x0  }
0x24: {  	s3 =	sadd.s32 $0x88, s3;
	s6 =	simm.s32 @!p1 $0x1082;
	[sflag:s4] =	ssyncset.s32 $0xFFFFF086  }
0x25: {  	[simem:s6], [sflag:s4] =	dma.local [hbm:s3], $0xF7A  }
0x26: {  	[smem:$0x3F9E] =	sst s1;
	(tag) =	ssettag s2;
	_ =	strace s9  }
0x27: {  	s1 =	sld [smem:$0x3FAE]  }
0x28: {  	s2 =	sld [smem:$0x3FAF]  }
0x29: {  	s4 =	sld [smem:$0x3FB1]  }
0x2a: {  	p0 =	seq.s32 s5, $0x0;
	s5 =	sld [smem:$0x3FB2]  }
0x2b: {  	s6 =	sld [smem:$0x3FB3]  }
0x2c: {  	s7 =	sld [smem:$0x3FB4]  }
0x2d: {  	s3 =	simm.s32 $0x108;
	s8 =	sld [smem:$0x3FB5]  }
0x2e: {  	s3 =	simm.s32 @!p0 $0x1082;
	s9 =	sld [smem:$0x3FB6]  }
0x2f: {  	lr =	sadd.s32 s0, s3;
	s0 =	sld [smem:$0x3FAD]  }
0x30: {  	s3 =	sld [smem:$0x3FB0]  }
0x31: {  	[smem:$0x3FB9] =	sst s10  }
0x32: {  	s10 =	sld [smem:$0x3FB7];
	_ =	sdelay $0x3  }
0x33: {  	p0 =	seq.s32 s10, $0x1;
	s10 =	sld [smem:$0x3FB9];
	_ =	sdelay $0x3  }
0x34: {  	[smem:$0x3FB9] =	sst s10  }
0x35: {  	s10 =	sld [smem:$0x3FB8];
	_ =	sdelay $0x3  }
0x36: {  	p1 =	seq.s32 s10, $0x1;
	s10 =	sld [smem:$0x3FB9];
	_ =	sdelay $0x3  }
0x37: {  	[smem:$0x3FB9] =	sst s10  }
0x38: {  	s10 =	sld [smem:$0x3FBA]  }
0x39: {  	_ = 	snop;
	(pc) =	sbr.ind lr, $3  }
0x3a: {  	_ = 	snop  }
0x3b: {  	_ = 	snop  }
0x3c: {  	p2 =	seq.s32 s10, $0x1;
	s10 =	sld [smem:$0x3FB9]  }
0x3d: {  	_ =	shalt  }
0x3e: {  	_ =	shalt  }
0x3f: {  	_ =	shalt  }
0x40: {  	_ =	shalt  }
0x41: {  	_ =	shalt  }
0x42: {  	_ =	shalt  }
0x43: {  	_ =	shalt  }
0x44: {  	_ =	shalt  }
0x45: {  	_ =	shalt  }
0x46: {  	_ =	shalt  }
0x47: {  	_ =	shalt  }
0x48: {  	_ =	shalt  }
0x49: {  	_ =	shalt  }
0x4a: {  	_ =	shalt  }
0x4b: {  	_ =	shalt  }
0x4c: {  	_ =	shalt  }
0x4d: {  	_ =	shalt  }
0x4e: {  	_ =	shalt  }
0x4f: {  	_ =	shalt  }
0x50: {  	_ =	shalt  }
0x51: {  	_ =	shalt  }
0x52: {  	_ =	shalt  }
0x53: {  	_ =	shalt  }
0x54: {  	_ =	shalt  }
0x55: {  	_ =	shalt  }
0x56: {  	_ =	shalt  }
0x57: {  	_ =	shalt  }
0x58: {  	_ =	shalt  }
0x59: {  	_ =	shalt  }
0x5a: {  	_ =	shalt  }
0x5b: {  	_ =	shalt  }
0x5c: {  	_ =	shalt  }
0x5d: {  	_ =	shalt  }
0x5e: {  	_ =	shalt  }
0x5f: {  	_ =	shalt  }
0x60: {  	_ =	shalt  }
0x61: {  	_ =	shalt  }
0x62: {  	_ =	shalt  }
0x63: {  	_ =	shalt  }
0x64: {  	_ =	shalt  }
0x65: {  	_ =	shalt  }
0x66: {  	_ =	shalt  }
0x67: {  	_ =	shalt  }
0x68: {  	_ =	shalt  }
0x69: {  	_ =	shalt  }
0x6a: {  	_ =	shalt  }
0x6b: {  	_ =	shalt  }
0x6c: {  	_ =	shalt  }
0x6d: {  	_ =	shalt  }
0x6e: {  	_ =	shalt  }
0x6f: {  	_ =	shalt  }
0x70: {  	_ =	shalt  }
0x71: {  	_ =	shalt  }
0x72: {  	_ =	shalt  }
0x73: {  	_ =	shalt  }
0x74: {  	_ =	shalt  }
0x75: {  	_ =	shalt  }
0x76: {  	_ =	shalt  }
0x77: {  	_ =	shalt  }
0x78: {  	_ =	shalt  }
0x79: {  	_ =	shalt  }
0x7a: {  	_ =	shalt  }
0x7b: {  	_ =	shalt  }
0x7c: {  	_ =	shalt  }
0x7d: {  	_ =	shalt  }
0x7e: {  	_ =	shalt  }
0x7f: {  	_ =	shalt  }
0x80: {  	_ =	shalt  }
0x81: {  	_ =	shalt  }
0x82: {  	_ =	shalt  }
0x83: {  	_ =	shalt  }
0x84: {  	_ =	shalt  }
0x85: {  	_ =	shalt  }
0x86: {  	_ =	shalt  }
0x87: {  	_ =	shalt  }
.Lfunc_end0:
.L_simem_size_0:
called_computation_lowered:
.L_overlay_start_0:
0x88: {  	s2 =	sld [smem:$0x3FD9]  }
0x89: {  	s3 =	sld [smem:$0x3FFE];
	_ =	sdelay $0x1  }
0x8a: {  	s1 =	srdreg.scid  }
0x8b: {  	s0 =	sand.u32 $0x1, s1  }
0x8c: {  	s18 =	sshll.u32 s0, $0xA;
	s2 =	sadd.s32 s3, s2  }
0x8d: {  	s2 =	sadd.s32 s2, s18  }
0x8e: {  	[smem:$0x3FC5] =	sst s2  }
0x8f: {  	_ = 	snop  }
0x90: {  	s2 =	sld [smem:$0x3FC9]  }
0x91: {  	s19 =	sld [smem:$0x3FC8]  }
0x92: {  	s4 =	sld [smem:$0x3FC7]  }
0x93: {  	s5 =	sld [smem:$0x3FD0];
	(tm) =	ssettm $0x1  }
0x94: {  	s6 =	sld [smem:$0x3FFB];
	_ =	sdelay $0x3  }
0x95: {  	_ =	strace s6  }
0x96: {  	s6 =	sld [smem:$0x3FFC];
	_ =	sdelay $0x3  }
0x97: {  	_ =	strace s6  }
0x98: {  	s6 =	sld [smem:$0x3FFD];
	_ =	sdelay $0x3  }
0x99: {  	_ =	strace s6  }
0x9a: {  	_ =	strace $0x8FFFFFFF  }
0x9b: {  	s20 =	sld [smem:$0x3FDB];
	_ =	sdelay $0x1  }
0x9c: {  	s7 =	simm.s32 $_scs_section_size  }
0x9d: {  	s8 =	simm.s32 $_size__tile_overlayer_lowered;
	s9 =	simm.s32 $_tile_overlayer_lowered  }
0x9e: {  	s23 =	simm.s32 $0x1BFF;
	s22 =	sshll.u32 s9, $0x1;
	s6 =	sadd.s32 s7, s20  }
0x9f: {  	s10 =	simm.s32 $0x0;
	s21 =	sshll.u32 s8, $0x1;
	s8 =	sadd.s32 s22, s6  }
0xa0: {  	[timem:s10], [sflag:s23] =	dma.local [hbm:s8], s21  }
0xa1: {  	_ =	swait.ge [sflag:s23], s21  }
0xa2: {  	s7 =	ssub.s32 $0x0, s21;
	[sflag:s23] =	ssyncset.done $0x0  }
0xa3: {  	[sflag:s23] =	ssyncadd.s32 s7;
	_ =	sdelay $0x1  }
0xa4: {  	s24 =	simm.s32 $0x1B8B  }
0xa5: {  	_ =	swait.ge [sflag:s24], $0x1  }
0xa6: {  	[sflag:s24] =	ssyncset.done $0x0  }
0xa7: {  	s25 =	simm.s32 $0x1B8E;
	[sflag:s24] =	ssyncadd.s32 $0xFFFFFFFF  }
0xa8: {  	s26 =	simm.s32 $execute0_lowered;
	[smem:$0x3FD2] =	sst s25  }
0xa9: {  	s7 =	sshll.u32 s26, $0x1;
	_ =	strace $0x80000046;
	[dreg:$0x1] =	wrdreg $0xFFFFFFFF  }
0xaa: {  	s28 =	simm.s32 $_size_execute0_lowered;
	s6 =	sadd.s32 s6, s7;
	[dreg:$0x0] =	wrdreg $0x0  }
0xab: {  	s7 =	sshll.u32 s28, $0x1;
	[dreg:$0x2] =	wrdreg s6  }
0xac: {  	[dreg:$0x3] =	wrdreg s7  }
0xad: {  	[dreg:$0x4] =	wrdreg $0xC0  }
0xae: {  	_ =	task [dreg:s10], $0x5FFFF  }
0xaf: {  	[dreg:$0x1] =	wrdreg $0xFFFFFFFF  }
0xb0: {  	[dreg:$0x0] =	wrdreg $0x60  }
0xb1: {  	[dreg:$0x2] =	wrdreg s2  }
0xb2: {  	[dreg:$0x3] =	wrdreg s19  }
0xb3: {  	[dreg:$0x4] =	wrdreg s4  }
0xb4: {  	[dreg:$0x5] =	wrdreg s5  }
0xb5: {  	[dreg:$0x6] =	wrdreg $0x9  }
0xb6: {  	_ =	task.clear_ibuf [dreg:s10], $0x7FFFF;
	_ =	strace $0x90000046  }
0xb7: {  	s29 =	simm.s32 $0x9;
	_ =	strace $0x80000048  }
0xb8: {  	_ =	swait.ge [sflag:s29], $0x1  }
0xb9: {  	[sflag:s29] =	ssyncadd.s32 $0xFFFFFFFF  }
0xba: {  	_ =	strace $0x90000048  }
0xbb: {  	_ =	sfence  }
0xbc: {  	s30 =	sld [smem:$0x0];
	_ =	sdelay $0x2  }
0xbd: {  	s31 =	sshll.u32 s1, $0xD;
	s1 =	sshrl.u32 s1, $0x2  }
0xbe: {  	s3 =	sand.u32 $0x4000, s31;
	s1 =	sadd.s32 s1, s30  }
0xbf: {  	s0 =	sor.u32 s3, s0;
	s1 =	sshll.u32 s1, $0x11  }
0xc0: {  	s0 =	sor.u32 s1, s0  }
0xc1: {  	s0 =	sadd.s32 $0x8F2B, s0  }
0xc2: {  	[sflag:s0] =	ssyncadd.remote.s32 $0x1  }
0xc3: {  	_ =	sfence.sel $0xFFFF  }
0xc4: {  	[dreg:$0x0] =	wrdreg $0xFFFFFFFF;
	(pc) =	sbr.abs _section_cstart, $3  }
0xc5: {  	[dreg:$0x1] =	wrdreg $0xFFFFFFFF  }
0xc6: {  	_ =	task.clear_ibuf [dreg:s10], $0x2FFFF;
	_ =	strace $0x9FFFFFFF  }
0xc7: {  	(tm) =	ssettm $0x7FFFFFFF  }
tec
execute0_lowered:
.L_overlay_start_1:
0x0: {  	(tag) =	ssettag $0x1  }
0x1: {  	s1 =	rddreg [dreg:$0x0]  }
0x2: {  	s2 =	rddreg [dreg:$0x1]  }
0x3: {  	s3 =	srdreg.scid;
	s4 =	rddreg [dreg:$0x2]  }
0x4: {  	s0 =	stileid.u32;
	s5 =	rddreg [dreg:$0x3];
	s13 =	simm.s32 $0x5  }
0x5: {  	s14 =	simm.s32 $0x200;
	s15 =	simm.s32 $0x1300;
	s16 =	simm.s32 $0x2400  }
0x6: {  	v0 =	vlaneseq.u32;
	s17 =	simm.s32 $0xA400;
	s18 =	simm.s32 $0x1;
	s3 =	sand.u32 $0x1, s3  }
0x7: {  	s19 =	simm.s32 $0x6400;
	s6 =	sshll.u32 s0, $0x14;
	v1 =	vmul.u32 $0x11, v0;
	s7 =	sshll.u32 s3, $0x13  }
0x8: {  	s20 =	simm.s32 $0x2;
	v17 =	vor.u32 $0x880, v0;
	v18 =	vor.u32 $0x40, v0;
	v19 =	vmul.u32 $0xFFFFFFFF, v0;
	s6 =	sor.u32 s7, s6;
	s7 =	simm.s32 $0x0  }
0x9: {  	s21 =	simm.s32 $0xE400;
	s22 =	simm.s32 $0x3;
	v2 =	vadd.s32 $0x1, v1;
	v3 =	vadd.s32 $0x2, v1;
	v4 =	vadd.s32 $0x3, v1;
	[smem:$0x7FF] =	sst s7  }
0xa: {  	s23 =	simm.s32 $0x4;
	s3 =	ssub.s32 $0x2, s3;
	v5 =	vadd.s32 $0x4, v1;
	v6 =	vadd.s32 $0x5, v1;
	v7 =	vadd.s32 $0x6, v1;
	_ =	strace $0x80000047;
	[tilespmem:$0x1FFC0] =	vst v1  }
0xb: {  	s24 =	simm.s32 $0x0;
	s9 =	sshrl.u32 s3, $0x1;
	v8 =	vadd.s32 $0x7, v1;
	v9 =	vadd.s32 $0x8, v1;
	v10 =	vadd.s32 $0x9, v1;
	s8 =	sshrl.u32 s6, $0x3;
	[tilespmem:$0x1FFD0] =	vst v2  }
0xc: {  	v11 =	vadd.s32 $0xA, v1;
	v12 =	vadd.s32 $0xB, v1;
	v13 =	vadd.s32 $0xC, v1;
	s3 =	ssub.s32 s3, s9;
	s10 =	sor.u32 $0x8000, s6;
	s8 =	sadd.s32 s1, s8;
	[tilespmem:$0x1FFE0] =	vst v3  }
0xd: {  	v14 =	vadd.s32 $0xD, v1;
	v15 =	vadd.s32 $0xE, v1;
	v16 =	vadd.s32 $0xF, v1;
	s11 =	sor.u32 $0xC000, s6;
	s12 =	smax.u32 s3, $0x1;
	[tilespmem:$0x1FFF0] =	vst v4;
	s9 =	sadd.s32 $0x800, s8  }
.LBB2_1:
0xe: {  	[tilespmem:s7], [sflag:$0x5] =	stream.linear.gather [hbm4b:s2+s7], $0x100, $0x38;
	[tilespmem:$0x12400] =	vst v63  }
0xf: {  	_ =	swait.ge [sflag:s13], $0x100  }
0x10: {  	[sflag:s13] =	ssyncset.done $0x0  }
0x11: {  	s25 =	simm.s32 $0x100;
	[sflag:s13] =	ssyncadd.s32 $0xFFFFFF00  }
0x12: {  	[tilespmem:s25], [sflag:$0x5] =	stream.linear.gather [hbm4b:s4+s7], $0x100, $0x38;
	[tilespmem:$0x12400] =	vst v63  }
0x13: {  	_ =	swait.ge [sflag:s13], $0x100  }
0x14: {  	[sflag:s13] =	ssyncset.done $0x0  }
0x15: {  	[sflag:s13] =	ssyncadd.s32 $0xFFFFFF00  }
0x16: {  	v20 =	vld [tilespmem:s25+$0x0];
	_ =	sdelay $0x4  }
0x17: {  	(erf) = vrcp.f32 v20;
	_ =	sdelay $0x2  }
0x18: {  	s3 =	simm.s32 $0x110  }
0x19: {  	v20 =	vld [tilespmem:s3+$0x0];
	_ =	sdelay $0x4  }
0x1a: {  	s29 =	simm.s32 $0x120;
	v21 =	vpop (erf);
	(erf) = vrcp.f32 v20  }
0x1b: {  	v20 =	vld [tilespmem:s29+$0x0]  }
0x1c: {  	s26 =	simm.s32 $0x0  }
0x1d: {  	s30 =	simm.s32 $0x20;
	s31 =	simm.s32 $0x100;
	s28 =	simm.s32 $0x120;
	v21 =	vmul.f32 $7.843137720e-03, v21  }
.LBB2_2:
0x1e: {  	s30 =	sadd.s32 $0x10, s30  }
0x1f: {  	p0 =	slt.u32 s30, $0xF0  }
.Ltmp0:
0x20: {  	s29 =	sadd.s32 $0x10, s29;
	(erf) = vrcp.f32 v20;
	[tilespmem:s31+$0x0] =	vst v21;
	(pc) =	sbr.rel @p0 .LBB2_2-.Ltmp0, $4  }
0x21: {  	s31 =	smov.u32 s3;
	v20 =	vld [tilespmem:s29+$0x0]  }
0x22: {  	s3 =	smov.u32 s28;
	s28 =	smov.u32 s29  }
0x23: {  	v21 =	vpop (erf)  }
0x24: {  	v21 =	vmul.f32 $7.843137720e-03, v21  }
0x25: {  	_ = 	snop  }
0x26: {  	(erf) = vrcp.f32 v20;
	_ =	sdelay $0x7  }
0x27: {  	v22 =	vmov s26;
	v20 =	vpop (erf)  }
0x28: {  	v22 =	vmul.u32 $0x11, v22;
	v20 =	vmul.f32 $7.843137720e-03, v20;
	v23 =	vpop (erf)  }
0x29: {  	[tilespmem:s31+$0x0] =	vst v21;
	v21 =	vmul.f32 $7.843137720e-03, v23  }
0x2a: {  	[tilespmem:s3+$0x0] =	vst v20;
	v20 =	vbroadcast v22, $0x0  }
0x2b: {  	s3 =	simm.s32 $0x0;
	[tilespmem:s28+$0x0] =	vst v21  }
0x2c: {  	v23 =	vadd.s32 v1, v20;
	v21 =	vld [tilespmem:s3+$0x0]  }
0x2d: {  	v22 =	vld [tilespmem:s25+$0x0]  }
0x2e: {  	v24 =	vadd.s32 v2, v20;
	_ =	sdelay $0x1  }
0x2f: {  	v25 =	vadd.s32 v3, v20  }
0x30: {  	[tilespmem:v23+s14+$0x0] =	vst.idx.msk $0xffff, v21  }
0x31: {  	[tilespmem:v23+s15+$0x0] =	vst.idx.msk $0xffff, v22;
	v23 =	vadd.s32 v4, v20  }
0x32: {  	[tilespmem:v24+s14+$0x0] =	vst.idx.msk $0xffff, v21  }
0x33: {  	[tilespmem:v24+s15+$0x0] =	vst.idx.msk $0xffff, v22;
	v24 =	vadd.s32 v5, v20  }
0x34: {  	[tilespmem:v25+s14+$0x0] =	vst.idx.msk $0xffff, v21  }
0x35: {  	[tilespmem:v25+s15+$0x0] =	vst.idx.msk $0xffff, v22;
	v25 =	vadd.s32 v6, v20  }
0x36: {  	[tilespmem:v23+s14+$0x0] =	vst.idx.msk $0xffff, v21  }
0x37: {  	[tilespmem:v23+s15+$0x0] =	vst.idx.msk $0xffff, v22;
	v23 =	vadd.s32 v7, v20  }
0x38: {  	[tilespmem:v24+s14+$0x0] =	vst.idx.msk $0xffff, v21  }
0x39: {  	[tilespmem:v24+s15+$0x0] =	vst.idx.msk $0xffff, v22;
	v24 =	vadd.s32 v8, v20  }
0x3a: {  	[tilespmem:v25+s14+$0x0] =	vst.idx.msk $0xffff, v21  }
0x3b: {  	v26 =	vadd.s32 v9, v20;
	[tilespmem:v25+s15+$0x0] =	vst.idx.msk $0xffff, v22  }
0x3c: {  	[tilespmem:v23+s14+$0x0] =	vst.idx.msk $0xffff, v21  }
0x3d: {  	[tilespmem:v23+s15+$0x0] =	vst.idx.msk $0xffff, v22;
	v23 =	vadd.s32 v10, v20  }
0x3e: {  	[tilespmem:v24+s14+$0x0] =	vst.idx.msk $0xffff, v21  }
0x3f: {  	v25 =	vadd.s32 v11, v20;
	[tilespmem:v24+s15+$0x0] =	vst.idx.msk $0xffff, v22  }
0x40: {  	[tilespmem:v26+s14+$0x0] =	vst.idx.msk $0xffff, v21  }
0x41: {  	v24 =	vadd.s32 v12, v20;
	[tilespmem:v26+s15+$0x0] =	vst.idx.msk $0xffff, v22  }
0x42: {  	[tilespmem:v23+s14+$0x0] =	vst.idx.msk $0xffff, v21  }
0x43: {  	[tilespmem:v23+s15+$0x0] =	vst.idx.msk $0xffff, v22;
	v23 =	vadd.s32 v13, v20  }
0x44: {  	[tilespmem:v25+s14+$0x0] =	vst.idx.msk $0xffff, v21  }
.LBB2_4:
0x45: {  	s26 =	sadd.s32 $0x10, s26;
	[tilespmem:v25+s15+$0x0] =	vst.idx.msk $0xffff, v22;
	v25 =	vadd.s32 v14, v20  }
0x46: {  	v26 =	vmov s26;
	p0 =	slt.u32 s26, $0xF0;
	[tilespmem:v24+s14+$0x0] =	vst.idx.msk $0xffff, v21  }
0x47: {  	v26 =	vmul.u32 $0x11, v26;
	[tilespmem:v24+s15+$0x0] =	vst.idx.msk $0xffff, v22;
	v24 =	vadd.s32 v15, v20  }
0x48: {  	[tilespmem:v23+s14+$0x0] =	vst.idx.msk $0xffff, v21  }
0x49: {  	[tilespmem:v23+s15+$0x0] =	vst.idx.msk $0xffff, v22;
	v23 =	vadd.s32 v16, v20;
	v20 =	vbroadcast v26, $0x0  }
0x4a: {  	s3 =	sadd.s32 $0x10, s3;
	[tilespmem:v25+s14+$0x0] =	vst.idx.msk $0xffff, v21  }
0x4b: {  	s25 =	sadd.s32 $0x10, s25;
	v26 =	vld [tilespmem:s3+$0x0];
	v27 =	vadd.s32 v1, v20;
	[tilespmem:v25+s15+$0x0] =	vst.idx.msk $0xffff, v22  }
0x4c: {  	v25 =	vld [tilespmem:s25+$0x0];
	[tilespmem:v24+s14+$0x0] =	vst.idx.msk $0xffff, v21  }
0x4d: {  	v28 =	vadd.s32 v2, v20;
	[tilespmem:v24+s15+$0x0] =	vst.idx.msk $0xffff, v22  }
0x4e: {  	[tilespmem:v23+s14+$0x0] =	vst.idx.msk $0xffff, v21  }
0x4f: {  	v24 =	vadd.s32 v3, v20;
	[tilespmem:v23+s15+$0x0] =	vst.idx.msk $0xffff, v22  }
0x50: {  	[tilespmem:v27+s14+$0x0] =	vst.idx.msk $0xffff, v26;
	v21 =	vmov v26  }
0x51: {  	v23 =	vadd.s32 v4, v20;
	[tilespmem:v27+s15+$0x0] =	vst.idx.msk $0xffff, v25;
	v22 =	vmov v25  }
0x52: {  	[tilespmem:v28+s14+$0x0] =	vst.idx.msk $0xffff, v21  }
0x53: {  	v25 =	vadd.s32 v5, v20;
	[tilespmem:v28+s15+$0x0] =	vst.idx.msk $0xffff, v22  }
0x54: {  	[tilespmem:v24+s14+$0x0] =	vst.idx.msk $0xffff, v21  }
0x55: {  	[tilespmem:v24+s15+$0x0] =	vst.idx.msk $0xffff, v22;
	v24 =	vadd.s32 v6, v20  }
0x56: {  	[tilespmem:v23+s14+$0x0] =	vst.idx.msk $0xffff, v21  }
0x57: {  	[tilespmem:v23+s15+$0x0] =	vst.idx.msk $0xffff, v22;
	v23 =	vadd.s32 v7, v20  }
0x58: {  	[tilespmem:v25+s14+$0x0] =	vst.idx.msk $0xffff, v21  }
0x59: {  	[tilespmem:v25+s15+$0x0] =	vst.idx.msk $0xffff, v22;
	v25 =	vadd.s32 v8, v20  }
0x5a: {  	[tilespmem:v24+s14+$0x0] =	vst.idx.msk $0xffff, v21  }
0x5b: {  	[tilespmem:v24+s15+$0x0] =	vst.idx.msk $0xffff, v22;
	v24 =	vadd.s32 v9, v20  }
0x5c: {  	[tilespmem:v23+s14+$0x0] =	vst.idx.msk $0xffff, v21  }
0x5d: {  	[tilespmem:v23+s15+$0x0] =	vst.idx.msk $0xffff, v22;
	v23 =	vadd.s32 v10, v20  }
0x5e: {  	[tilespmem:v25+s14+$0x0] =	vst.idx.msk $0xffff, v21  }
0x5f: {  	[tilespmem:v25+s15+$0x0] =	vst.idx.msk $0xffff, v22;
	v25 =	vadd.s32 v11, v20  }
.Ltmp1:
0x60: {  	[tilespmem:v24+s14+$0x0] =	vst.idx.msk $0xffff, v21;
	(pc) =	sbr.rel @p0 .LBB2_4-.Ltmp1, $4  }
0x61: {  	[tilespmem:v24+s15+$0x0] =	vst.idx.msk $0xffff, v22;
	v24 =	vadd.s32 v12, v20  }
0x62: {  	[tilespmem:v23+s14+$0x0] =	vst.idx.msk $0xffff, v21  }
0x63: {  	[tilespmem:v23+s15+$0x0] =	vst.idx.msk $0xffff, v22;
	v23 =	vadd.s32 v13, v20  }
0x64: {  	[tilespmem:v25+s14+$0x0] =	vst.idx.msk $0xffff, v21  }
0x65: {  	_ =	sdelay $0x3  }
0x66: {  	[tilespmem:v25+s15+$0x0] =	vst.idx.msk $0xffff, v22;
	v62 =	vadd.s32 v14, v20  }
0x67: {  	[tilespmem:v24+s14+$0x0] =	vst.idx.msk $0xffff, v21  }
0x68: {  	v63 =	vadd.s32 v15, v20;
	[tilespmem:v24+s15+$0x0] =	vst.idx.msk $0xffff, v22  }
0x69: {  	[tilespmem:v23+s14+$0x0] =	vst.idx.msk $0xffff, v21  }
0x6a: {  	v20 =	vadd.s32 v16, v20;
	[tilespmem:v23+s15+$0x0] =	vst.idx.msk $0xffff, v22  }
0x6b: {  	[tilespmem:v62+s14+$0x0] =	vst.idx.msk $0xffff, v21  }
0x6c: {  	[tilespmem:v62+s15+$0x0] =	vst.idx.msk $0xffff, v22  }
0x6d: {  	[tilespmem:v63+s14+$0x0] =	vst.idx.msk $0xffff, v21  }
0x6e: {  	[tilespmem:v63+s15+$0x0] =	vst.idx.msk $0xffff, v22  }
0x6f: {  	[tilespmem:v20+s14+$0x0] =	vst.idx.msk $0xffff, v21  }
0x70: {  	s25 =	simm.s32 $0x0;
	[tilespmem:v20+s15+$0x0] =	vst.idx.msk $0xffff, v22  }
0x71: {  	[tilespmem:s16], [sflag:$0x1] =	stream.linear.gather [hbm4b:s8+s25], $0x4000, $0x38;
	[tilespmem:$0x12400] =	vst v63  }
0x72: {  	_ = 	snop  }
0x73: {  	[tilespmem:s17], [sflag:$0x2] =	stream.linear.gather [hbm4b:s9+s25], $0x4000, $0x38;
	[tilespmem:$0x12400] =	vst v63  }
.LBB2_6:
0x74: {  	_ =	swait.ge [sflag:s18], $0x4000  }
0x75: {  	p0 =	seq.s32 s25, $0x0;
	[sflag:s18] =	ssyncset.done $0x0  }
0x76: {  	s3 =	simm.s32 @!p0 $0x3;
	[sflag:s18] =	ssyncadd.s32 $0xFFFFC000  }
0x77: {  	_ =	swait.ge @!p0 [sflag:s3], $0x4000  }
0x78: {  	[sflag:s3] =	ssyncset.done @!p0 $0x0  }
0x79: {  	[sflag:s3] =	ssyncadd.s32 @!p0 $0xFFFFC000  }
0x7a: {  	s26 =	simm.s32 $0x2410;
	v20 =	vld.idx.msk [tilespmem:v17+s14+$0x0], $0xffff  }
0x7b: {  	v26 =	vld [tilespmem:s26+$0x0];
	_ =	sdelay $0x4  }
0x7c: {  	vm0 =	vle.f32 v20, v26  }
0x7d: {  	v21 =	vsel vm0, v17, v0  }
0x7e: {  	v22 =	vor.u32 $0x440, v21  }
0x7f: {  	v23 =	vand.u32 $0xC80, v22  }
0x80: {  	v23 =	vor.u32 v18, v23;
	_ =	sdelay $0x1  }
0x81: {  	v30 =	vld [tilespmem:s26+$0xFFFFFFF0];
	_ =	sdelay $0x2  }
0x82: {  	v23 =	vld.idx.msk [tilespmem:v23+s14+$0x0], $0xffff;
	_ =	sdelay $0x1  }
0x83: {  	vm0 =	vle.f32 v20, v30  }
0x84: {  	v20 =	vsel vm0, v17, v0  }
0x85: {  	v24 =	vor.u32 $0x440, v20  }
0x86: {  	s26 =	simm.s32 $0x2430;
	v25 =	vand.u32 $0xC80, v24;
	vm0 =	vle.f32 v23, v26  }
0x87: {  	v28 =	vld [tilespmem:s26+$0x0];
	v23 =	vor.u32 v18, v25;
	v21 =	vsel vm0, v22, v21  }
0x88: {  	v25 =	vld.idx.msk [tilespmem:v17+s14+$0x0], $0xffff;
	v27 =	vor.u32 $0x220, v21;
	_ =	sdelay $0x3  }
0x89: {  	v22 =	vld.idx.msk [tilespmem:v23+s14+$0x0], $0xffff  }
0x8a: {  	vm0 =	vle.f32 v25, v28;
	v23 =	vld.idx.msk [tilespmem:v27+s14+$0x0], $0xffff  }
0x8b: {  	v29 =	vsel vm0, v17, v0  }
0x8c: {  	v31 =	vor.u32 $0x440, v29  }
0x8d: {  	v32 =	vand.u32 $0xC80, v31  }
0x8e: {  	v32 =	vor.u32 v18, v32;
	vm0 =	vle.f32 v22, v30  }
0x8f: {  	v22 =	vld [tilespmem:s26+$0xFFFFFFF0];
	v20 =	vsel vm0, v24, v20;
	vm0 =	vle.f32 v23, v26  }
0x90: {  	v23 =	vor.u32 $0x220, v20;
	v21 =	vsel vm0, v27, v21  }
0x91: {  	v24 =	vor.u32 $0x110, v21;
	_ =	sdelay $0x1  }
0x92: {  	v27 =	vld.idx.msk [tilespmem:v32+s14+$0x0], $0xffff  }
0x93: {  	vm0 =	vle.f32 v25, v22  }
0x94: {  	v54 =	vsel vm0, v17, v0;
	v25 =	vld.idx.msk [tilespmem:v23+s14+$0x0], $0xffff  }
0x95: {  	v33 =	vor.u32 $0x440, v54;
	v34 =	vld.idx.msk [tilespmem:v24+s14+$0x0], $0xffff  }
0x96: {  	v35 =	vand.u32 $0xC80, v33  }
0x97: {  	v35 =	vor.u32 v18, v35;
	vm0 =	vle.f32 v27, v28  }
0x98: {  	s26 =	simm.s32 $0x2450;
	v27 =	vld.idx.msk [tilespmem:v17+s14+$0x0], $0xffff;
	v29 =	vsel vm0, v31, v29  }
0x99: {  	v31 =	vld [tilespmem:s26+$0x0];
	vm0 =	vle.f32 v25, v30;
	v25 =	vor.u32 $0x220, v29  }
0x9a: {  	v23 =	vsel vm0, v23, v20;
	vm0 =	vle.f32 v34, v26  }
0x9b: {  	v20 =	vld [tilespmem:s26+$0xFFFFFFF0];
	v55 =	vor.u32 $0x110, v23;
	v21 =	vsel vm0, v24, v21  }
0x9c: {  	v24 =	vld.idx.msk [tilespmem:v35+s14+$0x0], $0xffff;
	v56 =	vadd.s32 $0x88, v21;
	_ =	sdelay $0x1  }
0x9d: {  	vm0 =	vle.f32 v27, v31;
	v36 =	vld.idx.msk [tilespmem:v25+s14+$0x0], $0xffff  }
0x9e: {  	v37 =	vsel vm0, v17, v0  }
0x9f: {  	vm0 =	vle.f32 v27, v20;
	v27 =	vor.u32 $0x440, v37;
	v38 =	vld.idx.msk [tilespmem:v55+s14+$0x0], $0xffff  }
0xa0: {  	v39 =	vsel vm0, v17, v0;
	vm1 =	vle.f32 v24, v22;
	v24 =	vand.u32 $0xC80, v27;
	v40 =	vld.idx.msk [tilespmem:v56+s14+$0x0], $0xffff  }
0xa1: {  	v57 =	vor.u32 $0x440, v39;
	v32 =	vsel vm1, v33, v54;
	v24 =	vor.u32 v18, v24  }
0xa2: {  	v42 =	vand.u32 $0xC80, v57;
	v41 =	vor.u32 $0x220, v32;
	vm0 =	vle.f32 v36, v28  }
0xa3: {  	v58 =	vor.u32 v18, v42;
	v25 =	vsel vm0, v25, v29  }
0xa4: {  	vm0 =	vle.f32 v38, v30;
	v29 =	vor.u32 $0x110, v25  }
0xa5: {  	v23 =	vsel vm0, v55, v23;
	vm0 =	vle.f32 v40, v26  }
0xa6: {  	v24 =	vld.idx.msk [tilespmem:v24+s14+$0x0], $0xffff;
	v35 =	vsel vm0, v56, v21  }
0xa7: {  	v21 =	vld.idx.msk [tilespmem:v41+s14+$0x0], $0xffff;
	v59 =	vadd.s32 $0x44, v35  }
0xa8: {  	v36 =	vld.idx.msk [tilespmem:v58+s14+$0x0], $0xffff  }
0xa9: {  	v60 =	vld.idx.msk [tilespmem:v29+s14+$0x0], $0xffff;
	_ =	sdelay $0x1  }
0xaa: {  	v62 =	vld.idx.msk [tilespmem:v17+s14+$0x0], $0xffff;
	v34 =	vadd.s32 $0x88, v23;
	vm0 =	vle.f32 v24, v31  }
0xab: {  	s26 =	simm.s32 $0x2470;
	vm1 =	vle.f32 v21, v22;
	v27 =	vsel vm0, v27, v37;
	v43 =	vld.idx.msk [tilespmem:v59+s14+$0x0], $0xffff  }
0xac: {  	v24 =	vld [tilespmem:s26+$0x0];
	vm0 =	vle.f32 v36, v20;
	v32 =	vsel vm1, v41, v32;
	v63 =	vor.u32 $0x220, v27  }
0xad: {  	v33 =	vsel vm0, v57, v39;
	v41 =	vor.u32 $0x110, v32;
	vm0 =	vle.f32 v60, v28  }
0xae: {  	v21 =	vld [tilespmem:s26+$0xFFFFFFF0];
	v39 =	vor.u32 $0x220, v33;
	v25 =	vsel vm0, v29, v25  }
0xaf: {  	v61 =	vld.idx.msk [tilespmem:v34+s14+$0x0], $0xffff;
	v29 =	vadd.s32 $0x88, v25  }
0xb0: {  	vm0 =	vle.f32 v43, v26  }
0xb1: {  	v54 =	vld.idx.msk [tilespmem:v63+s14+$0x0], $0xffff;
	v35 =	vsel vm0, v59, v35;
	vm0 =	vle.f32 v62, v24  }
0xb2: {  	v55 =	vld.idx.msk [tilespmem:v41+s14+$0x0], $0xffff;
	v57 =	vsel vm0, v17, v0  }
0xb3: {  	v58 =	vld.idx.msk [tilespmem:v39+s14+$0x0], $0xffff;
	v56 =	vadd.s32 $0x22, v35;
	vm0 =	vle.f32 v62, v21;
	v59 =	vor.u32 $0x440, v57  }
0xb4: {  	vm1 =	vle.f32 v61, v30;
	v44 =	vsel vm0, v17, v0;
	v45 =	vld.idx.msk [tilespmem:v29+s14+$0x0], $0xffff;
	v47 =	vand.u32 $0xC80, v59  }
0xb5: {  	v23 =	vsel vm1, v34, v23;
	v48 =	vor.u32 $0x440, v44;
	v47 =	vor.u32 v18, v47  }
0xb6: {  	v46 =	vadd.s32 $0x44, v23;
	v49 =	vand.u32 $0xC80, v48;
	vm0 =	vle.f32 v54, v31  }
0xb7: {  	v52 =	vor.u32 v18, v49;
	v27 =	vsel vm0, v63, v27  }
0xb8: {  	vm1 =	vle.f32 v55, v22;
	vm0 =	vle.f32 v58, v20;
	v53 =	vld.idx.msk [tilespmem:v56+s14+$0x0], $0xffff;
	v36 =	vor.u32 $0x110, v27  }
0xb9: {  	v32 =	vsel vm1, v41, v32;
	v33 =	vsel vm0, v39, v33;
	vm0 =	vle.f32 v45, v28  }
0xba: {  	v37 =	vadd.s32 $0x88, v32;
	v29 =	vsel vm0, v29, v25;
	v25 =	vld.idx.msk [tilespmem:v47+s14+$0x0], $0xffff  }
0xbb: {  	v54 =	vld.idx.msk [tilespmem:v46+s14+$0x0], $0xffff;
	v55 =	vor.u32 $0x110, v33  }
0xbc: {  	v60 =	vadd.s32 $0x44, v29;
	v38 =	vld.idx.msk [tilespmem:v52+s14+$0x0], $0xffff  }
0xbd: {  	vm0 =	vle.f32 v53, v26;
	v61 =	vld.idx.msk [tilespmem:v36+s14+$0x0], $0xffff  }
0xbe: {  	v51 =	vld.idx.msk [tilespmem:v17+s14+$0x0], $0xffff;
	v35 =	vsel vm0, v56, v35  }
0xbf: {  	v62 =	vld.idx.msk [tilespmem:v37+s14+$0x0], $0xffff;
	v63 =	vadd.s32 $0x11, v35;
	vm0 =	vle.f32 v25, v24  }
0xc0: {  	v56 =	vld.idx.msk [tilespmem:v55+s14+$0x0], $0xffff;
	v34 =	vsel vm0, v59, v57  }
0xc1: {  	s26 =	simm.s32 $0x2490;
	v50 =	vld.idx.msk [tilespmem:v60+s14+$0x0], $0xffff;
	vm1 =	vle.f32 v38, v21;
	v38 =	vor.u32 $0x220, v34  }
0xc2: {  	v25 =	vld [tilespmem:s26+$0x0];
	v42 =	vsel vm1, v48, v44;
	vm0 =	vle.f32 v61, v31;
	vm1 =	vle.f32 v54, v30  }
0xc3: {  	v27 =	vsel vm0, v36, v27;
	v36 =	vsel vm1, v46, v23;
	v23 =	vld [tilespmem:s26+$0xFFFFFFF0]  }
0xc4: {  	v58 =	vor.u32 $0x220, v42;
	vm0 =	vle.f32 v62, v22;
	v57 =	vld.idx.msk [tilespmem:v63+s14+$0x0], $0xffff  }
0xc5: {  	v59 =	vadd.s32 $0x88, v27;
	v32 =	vsel vm0, v37, v32;
	vm0 =	vle.f32 v56, v20  }
0xc6: {  	v46 =	vadd.s32 $0x22, v36;
	vm1 =	vle.f32 v50, v28;
	v33 =	vsel vm0, v55, v33  }
0xc7: {  	vm0 =	vle.f32 v51, v25;
	v43 =	vadd.s32 $0x44, v32;
	v29 =	vsel vm1, v60, v29;
	v60 =	vld.idx.msk [tilespmem:v38+s14+$0x0], $0xffff  }
0xc8: {  	v45 =	vadd.s32 $0x88, v33;
	v48 =	vsel vm0, v17, v0;
	v41 =	vadd.s32 $0x22, v29  }
0xc9: {  	v50 =	vor.u32 $0x440, v48;
	v61 =	vld.idx.msk [tilespmem:v58+s14+$0x0], $0xffff;
	vm0 =	vle.f32 v51, v23;
	vm1 =	vle.f32 v57, v26  }
0xca: {  	v52 =	vand.u32 $0xC80, v50;
	v62 =	vld.idx.msk [tilespmem:v59+s14+$0x0], $0xffff;
	v51 =	vsel vm0, v17, v0;
	v35 =	vsel vm1, v63, v35  }
0xcb: {  	v47 =	vld.idx.msk [tilespmem:v46+s14+$0x0], $0xffff;
	v52 =	vor.u32 v18, v52;
	v53 =	vor.u32 $0x440, v51  }
0xcc: {  	v55 =	vld.idx.msk [tilespmem:v43+s14+$0x0], $0xffff;
	v54 =	vand.u32 $0xC80, v53;
	vm0 =	vle.f32 v60, v24  }
0xcd: {  	v63 =	vld.idx.msk [tilespmem:v41+s14+$0x0], $0xffff;
	v54 =	vor.u32 v18, v54;
	v34 =	vsel vm0, v38, v34  }
0xce: {  	vm0 =	vle.f32 v61, v21;
	v61 =	vld.idx.msk [tilespmem:v45+s14+$0x0], $0xffff;
	v60 =	vor.u32 $0x110, v34  }
0xcf: {  	v40 =	vsel vm0, v58, v42;
	vm0 =	vle.f32 v62, v31;
	v62 =	vld.idx.msk [tilespmem:v35+s14+$0x0], $0xffff  }
0xd0: {  	v42 =	vor.u32 $0x110, v40;
	v44 =	vsel vm0, v59, v27;
	v27 =	vld.idx.msk [tilespmem:v52+s14+$0x0], $0xffff  }
0xd1: {  	v56 =	vld.idx.msk [tilespmem:v35+s15+$0x0], $0xffff  }
0xd2: {  	v52 =	vadd.s32 $0x44, v44;
	vm0 =	vle.f32 v63, v28;
	v63 =	vld.idx.msk [tilespmem:v54+s14+$0x0], $0xffff  }
0xd3: {  	vm1 =	vle.f32 v55, v22;
	v29 =	vsel vm0, v41, v29;
	vm0 =	vle.f32 v47, v30;
	v57 =	vld.idx.msk [tilespmem:v60+s14+$0x0], $0xffff  }
0xd4: {  	v47 =	vadd.s32 $0x11, v29;
	v36 =	vsel vm0, v46, v36;
	vm0 =	vle.f32 v61, v20;
	v61 =	vld.idx.msk [tilespmem:v17+s14+$0x0], $0xffff  }
0xd5: {  	s26 =	simm.s32 $0x24B0;
	v35 =	vadd.s32 v19, v35;
	v32 =	vsel vm1, v43, v32;
	v58 =	vld.idx.msk [tilespmem:v42+s14+$0x0], $0xffff  }
0xd6: {  	v35 =	vcvt.s32.f32 v35;
	v33 =	vsel vm0, v45, v33;
	vm0 =	vle.f32 v27, v25;
	v27 =	vld [tilespmem:s26+$0x0]  }
0xd7: {  	v26 =	vsub.f32 v26, v62;
	v59 =	vld.idx.msk [tilespmem:v52+s14+$0x0], $0xffff;
	v45 =	vadd.s32 $0x44, v33;
	v37 =	vsel vm0, v50, v48  }
0xd8: {  	v43 =	vadd.s32 $0x11, v36;
	vm1 =	vle.f32 v63, v23;
	v48 =	vor.u32 $0x220, v37  }
0xd9: {  	v62 =	vmul.f32 v56, v26;
	v50 =	vsel vm1, v53, v51;
	vm0 =	vle.f32 v57, v24;
	v63 =	vld.idx.msk [tilespmem:v47+s14+$0x0], $0xffff  }
0xda: {  	v49 =	vadd.s32 $0x22, v32;
	v26 =	vld [tilespmem:s26+$0xFFFFFFF0];
	v51 =	vor.u32 $0x220, v50;
	v34 =	vsel vm0, v60, v34  }
0xdb: {  	v60 =	vmax.f32 v62, $0.0e+00;
	vm0 =	vle.f32 v58, v21;
	v54 =	vadd.s32 $0x88, v34  }
0xdc: {  	vm1 =	vle.f32 v59, v31;
	v38 =	vld.idx.msk [tilespmem:v45+s14+$0x0], $0xffff;
	v39 =	vsel vm0, v42, v40;
	vm0 =	vle.f32 v61, v27  }
0xdd: {  	v53 =	vmin.f32 v60, $7.843137720e-03;
	v40 =	vsel vm1, v52, v44;
	v42 =	vld.idx.msk [tilespmem:v48+s14+$0x0], $0xffff;
	v44 =	vadd.s32 $0x88, v39  }
0xde: {  	v60 =	vld.idx.msk [tilespmem:v43+s14+$0x0], $0xffff;
	v52 =	vsel vm0, v17, v0;
	v55 =	vadd.s32 $0x22, v40;
	vm1 =	vle.f32 v63, v28  }
0xdf: {  	vm0 =	vle.f32 v61, v26;
	v46 =	vor.u32 $0x440, v52;
	v56 =	vld.idx.msk [tilespmem:v51+s14+$0x0], $0xffff;
	v29 =	vsel vm1, v47, v29  }
0xe0: {  	v35 =	vmul.f32 $4.613610220e-04, v35;
	v41 =	vsel vm0, v17, v0;
	v57 =	vand.u32 $0xC80, v46;
	v47 =	vld.idx.msk [tilespmem:v49+s14+$0x0], $0xffff  }
0xe1: {  	v59 =	vor.u32 $0x440, v41;
	v57 =	vor.u32 v18, v57;
	v58 =	vld.idx.msk [tilespmem:v54+s14+$0x0], $0xffff;
	vm0 =	vle.f32 v38, v20  }
0xe2: {  	v61 =	vand.u32 $0xC80, v59;
	v33 =	vsel vm0, v45, v33;
	vm0 =	vle.f32 v42, v25;
	v45 =	vld.idx.msk [tilespmem:v44+s14+$0x0], $0xffff  }
0xe3: {  	v35 =	vadd.f32 v35, v53;
	v38 =	vor.u32 v18, v61;
	v62 =	vld.idx.msk [tilespmem:v55+s14+$0x0], $0xffff;
	v37 =	vsel vm0, v48, v37  }
0xe4: {  	v53 =	vadd.s32 $0x22, v33;
	vm0 =	vle.f32 v56, v23;
	v48 =	vor.u32 $0x110, v37;
	v56 =	vld.idx.msk [tilespmem:v29+s14+$0x0], $0xffff  }
0xe5: {  	v50 =	vsel vm0, v51, v50;
	vm1 =	vle.f32 v47, v22;
	v61 =	vld.idx.msk [tilespmem:v29+s15+$0x0], $0xffff;
	v29 =	vadd.s32 v19, v29  }
0xe6: {  	v63 =	vld.idx.msk [tilespmem:v57+s14+$0x0], $0xffff;
	vm0 =	vle.f32 v58, v24;
	v51 =	vor.u32 $0x110, v50;
	v49 =	vsel vm1, v49, v32  }
0xe7: {  	v34 =	vsel vm0, v54, v34;
	v54 =	vadd.f32 $-1.000000000e+00, v35;
	vm0 =	vle.f32 v60, v30  }
0xe8: {  	v32 =	vld.idx.msk [tilespmem:v38+s14+$0x0], $0xffff;
	vm1 =	vle.f32 v45, v21;
	v36 =	vsel vm0, v43, v36;
	vm0 =	vle.f32 v62, v31  }
0xe9: {  	v57 =	vadd.s32 $0x44, v34;
	v42 =	vld.idx.msk [tilespmem:v53+s14+$0x0], $0xffff;
	v39 =	vsel vm1, v44, v39;
	v43 =	vsel vm0, v55, v40  }
0xea: {  	s30 =	simm.s32 $0x24D0;
	v62 =	vadd.s32 v19, v36;
	v40 =	vld.idx.msk [tilespmem:v48+s14+$0x0], $0xffff;
	v45 =	vadd.s32 $0x11, v43;
	v28 =	vsub.f32 v28, v56  }
0xeb: {  	v38 =	vcvt.s32.f32 v62;
	vm0 =	vle.f32 v63, v27;
	v63 =	vcvt.s32.f32 v29;
	v29 =	vld [tilespmem:s30+$0x0]  }
0xec: {  	v55 =	vadd.s32 $0x11, v49;
	v56 =	vadd.s32 $0x44, v39;
	v44 =	vld.idx.msk [tilespmem:v51+s14+$0x0], $0xffff;
	v52 =	vsel vm0, v46, v52  }
0xed: {  	vm0 =	vle.f32 v32, v26;
	v28 =	vmul.f32 v61, v28;
	v60 =	vmul.f32 $4.613610220e-04, v38;
	v38 =	vld.idx.msk [tilespmem:v17+s14+$0x0], $0xffff  }
0xee: {  	v58 =	vor.u32 $0x220, v52;
	v32 =	vmul.f32 $4.613610220e-04, v63;
	v59 =	vsel vm0, v59, v41;
	v47 =	vld.idx.msk [tilespmem:v57+s14+$0x0], $0xffff  }
0xef: {  	v61 =	vor.u32 $0x220, v59;
	v28 =	vmax.f32 v28, $0.0e+00;
	vm0 =	vle.f32 v40, v25;
	v35 =	vld.idx.msk [tilespmem:v45+s14+$0x0], $0xffff  }
0xf0: {  	vm1 =	vle.f32 v42, v20;
	v46 =	vmin.f32 v28, $7.843137720e-03;
	v28 =	vld [tilespmem:s30+$0xFFFFFFF0];
	v37 =	vsel vm0, v48, v37  }
0xf1: {  	v48 =	vadd.f32 v32, v46;
	vm0 =	vle.f32 v44, v23;
	v62 =	vadd.s32 $0x88, v37  }
0xf2: {  	v63 =	vld.idx.msk [tilespmem:v56+s14+$0x0], $0xffff;
	v32 =	vsel vm1, v53, v33;
	v42 =	vsel vm0, v51, v50;
	vm2 =	vle.f32 v38, v29  }
0xf3: {  	v53 =	vld.idx.msk [tilespmem:v36+s14+$0x0], $0xffff;
	v33 =	vadd.s32 $0x11, v32;
	vm0 =	vle.f32 v47, v24;
	v40 =	vsel vm2, v17, v0  }
0xf4: {  	v1 =	vadd.s32 $0x88, v42;
	v47 =	vld.idx.msk [tilespmem:v58+s14+$0x0], $0xffff;
	v2 =	vsel vm0, v57, v34;
	v44 =	vor.u32 $0x440, v40  }
0xf5: {  	v50 =	vld.idx.msk [tilespmem:v55+s14+$0x0], $0xffff;
	v3 =	vadd.s32 $0x22, v2;
	vm0 =	vle.f32 v38, v28;
	vm1 =	vle.f32 v35, v31  }
0xf6: {  	v38 =	vld.idx.msk [tilespmem:v61+s14+$0x0], $0xffff;
	v57 =	vand.u32 $0xC80, v44;
	v41 =	vsel vm0, v17, v0;
	v4 =	vsel vm1, v45, v43  }
0xf7: {  	v43 =	vld.idx.msk [tilespmem:v62+s14+$0x0], $0xffff;
	v45 =	vor.u32 v18, v57;
	vm0 =	vle.f32 v63, v21;
	v63 =	vadd.f32 $-1.000000000e+00, v48  }
0xf8: {  	v57 =	vld.idx.msk [tilespmem:v36+s15+$0x0], $0xffff;
	v30 =	vsub.f32 v30, v53;
	v46 =	vor.u32 $0x440, v41;
	v34 =	vsel vm0, v56, v39  }
0xf9: {  	v51 =	vand.u32 $0xC80, v46;
	v39 =	vld.idx.msk [tilespmem:v1+s14+$0x0], $0xffff;
	vm0 =	vle.f32 v47, v27;
	v35 =	vadd.s32 $0x22, v34  }
0xfa: {  	v56 =	vor.u32 v18, v51;
	v47 =	vsel vm0, v58, v52;
	vm0 =	vle.f32 v50, v22;
	v52 =	vld.idx.msk [tilespmem:v3+s14+$0x0], $0xffff  }
0xfb: {  	vm1 =	vle.f32 v38, v26;
	v36 =	vsel vm0, v55, v49;
	v51 =	vor.u32 $0x110, v47;
	v55 =	vld.idx.msk [tilespmem:v4+s14+$0x0], $0xffff  }
0xfc: {  	v53 =	vld.idx.msk [tilespmem:v45+s14+$0x0], $0xffff;
	v48 =	vsel vm1, v61, v59;
	vm0 =	vle.f32 v43, v25;
	v43 =	vadd.s32 v19, v36  }
0xfd: {  	v61 =	vld.idx.msk [tilespmem:v4+s15+$0x0], $0xffff;
	v30 =	vmul.f32 v57, v30;
	v50 =	vor.u32 $0x110, v48;
	v45 =	vsel vm0, v62, v37  }
0xfe: {  	v62 =	vcvt.s32.f32 v43;
	v37 =	vld.idx.msk [tilespmem:v33+s14+$0x0], $0xffff;
	vm0 =	vle.f32 v39, v23;
	v49 =	vadd.s32 $0x44, v45  }
0xff: {  	v56 =	vld.idx.msk [tilespmem:v56+s14+$0x0], $0xffff;
	v38 =	vsel vm0, v1, v42;
	vm0 =	vle.f32 v52, v24  }
0x100: {  	v43 =	vld.idx.msk [tilespmem:v35+s14+$0x0], $0xffff;
	v1 =	vmax.f32 v30, $0.0e+00;
	v30 =	vmul.f32 $4.613610220e-04, v62;
	v42 =	vsel vm0, v3, v2  }
0x101: {  	s29 =	simm.s32 $0x6410;
	v57 =	vld.idx.msk [tilespmem:v51+s14+$0x0], $0xffff;
	v1 =	vmin.f32 v1, $7.843137720e-03;
	v2 =	vsub.f32 v31, v55;
	v31 =	vadd.s32 $0x11, v42  }
0x102: {  	s28 =	simm.s32 $0x6430;
	[tilespmem:s29+$0x0] =	vst v54;
	v39 =	vadd.s32 $0x44, v38;
	v3 =	vadd.s32 v19, v4;
	v52 =	vadd.f32 v60, v1;
	v58 =	vld.idx.msk [tilespmem:v50+s14+$0x0], $0xffff  }
0x103: {  	s31 =	simm.s32 $0xC0;
	s26 =	sshll.u32 s25, $0x1;
	[tilespmem:s28+$0x0] =	vst v63;
	vm0 =	vle.f32 v53, v29;
	v53 =	vcvt.s32.f32 v3;
	v55 =	vld.idx.msk [tilespmem:v49+s14+$0x0], $0xffff;
	v54 =	vmul.f32 v61, v2  }
.LBB2_7:
0x104: {  	v1 =	vld.idx.msk [tilespmem:v17+s14+$0x0], $0xffff;
	vm1 =	vle.f32 v56, v28;
	v2 =	vsel vm0, v44, v40;
	s30 =	sadd.s32 $0x20, s30;
	v3 =	vadd.f32 $-1.000000000e+00, v52  }
0x105: {  	s31 =	sadd.s32 $0x20, s31;
	v4 =	vld [tilespmem:s30+$0x0];
	v52 =	vor.u32 $0x220, v2;
	v40 =	vmax.f32 v54, $0.0e+00;
	v44 =	vmul.f32 $4.613610220e-04, v53  }
0x106: {  	p1 =	slt.u32 s31, $0x3FE0;
	v53 =	vsel vm1, v46, v41;
	vm0 =	vle.f32 v57, v27;
	v41 =	vld.idx.msk [tilespmem:v31+s14+$0x0], $0xffff;
	v40 =	vmin.f32 v40, $7.843137720e-03;
	[tilespmem:s29+$0xFFFFFFF0] =	vst v3;
	s29 =	smov.u32 s28  }
0x107: {  	v54 =	vor.u32 $0x220, v53;
	v56 =	vsel vm0, v51, v47;
	v3 =	vld [tilespmem:s30+$0xFFFFFFF0];
	v40 =	vadd.f32 v44, v40  }
0x108: {  	vm1 =	vle.f32 v43, v21;
	vm0 =	vle.f32 v58, v26;
	v57 =	vadd.s32 $0x88, v56;
	v47 =	vld.idx.msk [tilespmem:v39+s14+$0x0], $0xffff  }
0x109: {  	v43 =	vsel vm0, v50, v48;
	vm0 =	vle.f32 v55, v25;
	v44 =	vadd.f32 $-1.000000000e+00, v40;
	v48 =	vld.idx.msk [tilespmem:v36+s14+$0x0], $0xffff  }
0x10a: {  	s28 =	sadd.s32 $0x20, s28;
	v55 =	vadd.s32 $0x88, v43;
	v58 =	vsel vm0, v49, v45;
	vm2 =	vle.f32 v1, v4;
	v50 =	vld.idx.msk [tilespmem:v52+s14+$0x0], $0xffff  }
0x10b: {  	v60 =	vsel vm1, v35, v34;
	v59 =	vadd.s32 $0x22, v58;
	v40 =	vsel vm2, v17, v0;
	[tilespmem:s28+$0x0] =	vst v44;
	v49 =	vld.idx.msk [tilespmem:v36+s15+$0x0], $0xffff  }
0x10c: {  	vm1 =	vle.f32 v41, v24;
	vm0 =	vle.f32 v1, v3;
	v44 =	vor.u32 $0x440, v40;
	v1 =	vld.idx.msk [tilespmem:v54+s14+$0x0], $0xffff  }
0x10d: {  	v61 =	vsel vm1, v31, v42;
	v41 =	vsel vm0, v17, v0;
	v34 =	vand.u32 $0xC80, v44;
	v45 =	vld.idx.msk [tilespmem:v57+s14+$0x0], $0xffff  }
0x10e: {  	vm0 =	vle.f32 v47, v23;
	v46 =	vor.u32 $0x440, v41;
	v31 =	vor.u32 v18, v34  }
0x10f: {  	v62 =	vadd.s32 $0x11, v60;
	v34 =	vsel vm0, v39, v38;
	v35 =	vand.u32 $0xC80, v46;
	v42 =	vld.idx.msk [tilespmem:v55+s14+$0x0], $0xffff  }
0x110: {  	vm0 =	vle.f32 v50, v29;
	v38 =	vor.u32 v18, v35;
	v35 =	vadd.s32 $0x22, v34;
	v39 =	vld.idx.msk [tilespmem:v59+s14+$0x0], $0xffff  }
0x111: {  	v47 =	vsel vm0, v52, v2;
	vm0 =	vle.f32 v37, v20;
	v2 =	vsub.f32 v22, v48;
	v22 =	vmovc v20  }
0x112: {  	v20 =	vmovc v21;
	vm1 =	vle.f32 v1, v28;
	v51 =	vor.u32 $0x110, v47;
	v36 =	vsel vm0, v33, v32;
	v1 =	vld.idx.msk [tilespmem:v61+s14+$0x0], $0xffff  }
0x113: {  	v48 =	vsel vm1, v54, v53;
	vm0 =	vle.f32 v45, v27;
	v63 =	vld.idx.msk [tilespmem:v31+s14+$0x0], $0xffff;
	v31 =	vadd.s32 v19, v36  }
0x114: {  	v21 =	vmovc v23;
	v2 =	vmul.f32 v49, v2;
	v50 =	vor.u32 $0x110, v48;
	v45 =	vsel vm0, v57, v56;
	v53 =	vld.idx.msk [tilespmem:v61+s15+$0x0], $0xffff  }
0x115: {  	v23 =	vmovc v26;
	vm0 =	vle.f32 v42, v26;
	v49 =	vadd.s32 $0x44, v45;
	v31 =	vcvt.s32.f32 v31;
	v26 =	vmovc v28;
	v56 =	vld.idx.msk [tilespmem:v38+s14+$0x0], $0xffff  }
.Ltmp2:
0x116: {  	v2 =	vmax.f32 v2, $0.0e+00;
	v28 =	vmovc v3;
	v38 =	vsel vm0, v55, v43;
	vm0 =	vle.f32 v39, v25;
	v43 =	vld.idx.msk [tilespmem:v35+s14+$0x0], $0xffff;
	(pc) =	sbr.rel @p1 .LBB2_7-.Ltmp2, $4  }
0x117: {  	v32 =	vmovc v60;
	v33 =	vmovc v62;
	v39 =	vadd.s32 $0x44, v38;
	v42 =	vsel vm0, v59, v58;
	v3 =	vmul.f32 $4.613610220e-04, v31;
	v57 =	vld.idx.msk [tilespmem:v51+s14+$0x0], $0xffff  }
0x118: {  	v2 =	vmin.f32 v2, $7.843137720e-03;
	v31 =	vadd.s32 $0x11, v42;
	v1 =	vsub.f32 v24, v1;
	v24 =	vmovc v25;
	v25 =	vmovc v27;
	v37 =	vld.idx.msk [tilespmem:v62+s14+$0x0], $0xffff  }
0x119: {  	v59 =	vadd.s32 v19, v61;
	v52 =	vadd.f32 v30, v2;
	v27 =	vmovc v29;
	v29 =	vmov v4;
	v58 =	vld.idx.msk [tilespmem:v50+s14+$0x0], $0xffff  }
0x11a: {  	vm0 =	vle.f32 v63, v29;
	v30 =	vmovc v3;
	v54 =	vmul.f32 v53, v1;
	v53 =	vcvt.s32.f32 v59;
	v55 =	vld.idx.msk [tilespmem:v49+s14+$0x0], $0xffff  }
0x11b: {  	v1 =	vsel vm0, v44, v40  }
0x11c: {  	v2 =	vor.u32 $0x220, v1;
	_ =	sdelay $0x1  }
0x11d: {  	vm0 =	vle.f32 v56, v28  }
0x11e: {  	v3 =	vsel vm0, v46, v41  }
0x11f: {  	v4 =	vor.u32 $0x220, v3  }
0x120: {  	v60 =	vld.idx.msk [tilespmem:v2+s14+$0x0], $0xffff;
	_ =	sdelay $0x3  }
0x121: {  	v61 =	vld.idx.msk [tilespmem:v4+s14+$0x0], $0xffff  }
0x122: {  	vm0 =	vle.f32 v60, v29  }
0x123: {  	v1 =	vsel vm0, v2, v1  }
0x124: {  	v2 =	vor.u32 $0x110, v1  }
0x125: {  	vm0 =	vle.f32 v57, v27  }
0x126: {  	v62 =	vsel vm0, v51, v47;
	vm0 =	vle.f32 v61, v28  }
0x127: {  	v63 =	vadd.s32 $0x88, v62;
	v3 =	vsel vm0, v4, v3  }
0x128: {  	v4 =	vor.u32 $0x110, v3  }
0x129: {  	v51 =	vld.idx.msk [tilespmem:v2+s14+$0x0], $0xffff;
	_ =	sdelay $0x2  }
0x12a: {  	v56 =	vld.idx.msk [tilespmem:v63+s14+$0x0], $0xffff  }
0x12b: {  	v57 =	vld.idx.msk [tilespmem:v4+s14+$0x0], $0xffff  }
0x12c: {  	vm0 =	vle.f32 v51, v29  }
0x12d: {  	v1 =	vsel vm0, v2, v1  }
0x12e: {  	vm0 =	vle.f32 v58, v26;
	v2 =	vadd.s32 $0x88, v1  }
0x12f: {  	v59 =	vsel vm0, v50, v48;
	vm0 =	vle.f32 v56, v27  }
0x130: {  	v60 =	vadd.s32 $0x88, v59;
	v40 =	vsel vm0, v63, v62;
	vm0 =	vle.f32 v57, v28  }
0x131: {  	v41 =	vadd.s32 $0x44, v40;
	v3 =	vsel vm0, v4, v3  }
0x132: {  	v4 =	vadd.s32 $0x88, v3  }
0x133: {  	v61 =	vld.idx.msk [tilespmem:v2+s14+$0x0], $0xffff;
	_ =	sdelay $0x1  }
0x134: {  	v62 =	vld.idx.msk [tilespmem:v60+s14+$0x0], $0xffff  }
0x135: {  	vm0 =	vle.f32 v55, v25;
	v63 =	vld.idx.msk [tilespmem:v41+s14+$0x0], $0xffff  }
0x136: {  	v45 =	vsel vm0, v49, v45;
	v55 =	vld.idx.msk [tilespmem:v4+s14+$0x0], $0xffff  }
0x137: {  	v56 =	vadd.s32 $0x22, v45;
	vm0 =	vle.f32 v61, v29  }
0x138: {  	v1 =	vsel vm0, v2, v1  }
0x139: {  	v58 =	vld.idx.msk [tilespmem:v39+s14+$0x0], $0xffff;
	vm0 =	vle.f32 v62, v26;
	v2 =	vadd.s32 $0x44, v1  }
0x13a: {  	v57 =	vld.idx.msk [tilespmem:v31+s14+$0x0], $0xffff;
	v44 =	vsel vm0, v60, v59;
	vm0 =	vle.f32 v63, v27  }
0x13b: {  	v48 =	vadd.s32 $0x44, v44;
	v40 =	vsel vm0, v41, v40;
	vm0 =	vle.f32 v55, v28  }
0x13c: {  	v59 =	vld.idx.msk [tilespmem:v56+s14+$0x0], $0xffff;
	v49 =	vadd.s32 $0x22, v40;
	v3 =	vsel vm0, v4, v3  }
0x13d: {  	v55 =	vld.idx.msk [tilespmem:v36+s14+$0x0], $0xffff;
	v4 =	vadd.s32 $0x44, v3  }
0x13e: {  	v60 =	vld.idx.msk [tilespmem:v2+s14+$0x0], $0xffff  }
0x13f: {  	vm1 =	vle.f32 v58, v23;
	vm0 =	vle.f32 v57, v24;
	v57 =	vld.idx.msk [tilespmem:v36+s15+$0x0], $0xffff  }
0x140: {  	v38 =	vsel vm1, v39, v38;
	v61 =	vld.idx.msk [tilespmem:v48+s14+$0x0], $0xffff  }
0x141: {  	v41 =	vadd.s32 $0x22, v38;
	v31 =	vsel vm0, v31, v42;
	vm0 =	vle.f32 v59, v25;
	v62 =	vld.idx.msk [tilespmem:v49+s14+$0x0], $0xffff  }
0x142: {  	v42 =	vsel vm0, v56, v45;
	v22 =	vsub.f32 v22, v55;
	v63 =	vld.idx.msk [tilespmem:v4+s14+$0x0], $0xffff  }
0x143: {  	v51 =	vadd.s32 $0x11, v42;
	vm0 =	vle.f32 v60, v29  }
0x144: {  	vm1 =	vle.f32 v43, v21;
	v22 =	vmul.f32 v57, v22;
	v1 =	vsel vm0, v2, v1  }
0x145: {  	v2 =	vsel vm1, v35, v34;
	vm0 =	vle.f32 v61, v26;
	v35 =	vadd.s32 $0x22, v1  }
0x146: {  	v59 =	vld.idx.msk [tilespmem:v41+s14+$0x0], $0xffff;
	v36 =	vadd.s32 $0x11, v2;
	v44 =	vsel vm0, v48, v44;
	vm0 =	vle.f32 v62, v27  }
0x147: {  	v58 =	vld.idx.msk [tilespmem:v31+s14+$0x0], $0xffff;
	v46 =	vadd.s32 $0x22, v44;
	v40 =	vsel vm0, v49, v40;
	vm0 =	vle.f32 v63, v28  }
0x148: {  	v60 =	vld.idx.msk [tilespmem:v51+s14+$0x0], $0xffff;
	v47 =	vadd.s32 $0x11, v40;
	v3 =	vsel vm0, v4, v3  }
0x149: {  	v56 =	vmax.f32 v54, $0.0e+00;
	v22 =	vmax.f32 v22, $0.0e+00;
	v61 =	vld.idx.msk [tilespmem:v31+s15+$0x0], $0xffff;
	v48 =	vadd.s32 $0x22, v3  }
0x14a: {  	v22 =	vmin.f32 v22, $7.843137720e-03;
	v31 =	vadd.s32 v19, v31;
	vm0 =	vle.f32 v37, v20;
	v63 =	vld.idx.msk [tilespmem:v35+s14+$0x0], $0xffff  }
0x14b: {  	v62 =	vmin.f32 v56, $7.843137720e-03;
	v32 =	vsel vm0, v33, v32;
	vm0 =	vle.f32 v59, v23;
	v54 =	vld.idx.msk [tilespmem:v36+s14+$0x0], $0xffff  }
0x14c: {  	v22 =	vadd.f32 v30, v22;
	v30 =	vcvt.s32.f32 v31;
	v38 =	vsel vm0, v41, v38;
	v55 =	vld.idx.msk [tilespmem:v46+s14+$0x0], $0xffff  }
0x14d: {  	v4 =	vmul.f32 $4.613610220e-04, v53;
	vm1 =	vle.f32 v60, v25;
	v59 =	vadd.s32 $0x11, v38;
	v56 =	vld.idx.msk [tilespmem:v47+s14+$0x0], $0xffff  }
0x14e: {  	v34 =	vadd.f32 $-1.000000000e+00, v52;
	v24 =	vsub.f32 v24, v58;
	v57 =	vsel vm1, v51, v42;
	v58 =	vld.idx.msk [tilespmem:v48+s14+$0x0], $0xffff  }
0x14f: {  	v30 =	vmul.f32 $4.613610220e-04, v30;
	v4 =	vadd.f32 v4, v62;
	vm0 =	vle.f32 v63, v29  }
0x150: {  	v53 =	vadd.s32 v19, v32;
	v24 =	vmul.f32 v61, v24;
	v31 =	vld.idx.msk [tilespmem:v32+s14+$0x0], $0xffff;
	v1 =	vsel vm0, v35, v1  }
0x151: {  	v49 =	vcvt.s32.f32 v53;
	v32 =	vld.idx.msk [tilespmem:v32+s15+$0x0], $0xffff;
	vm0 =	vle.f32 v54, v21;
	v60 =	vadd.s32 $0x11, v1  }
0x152: {  	v63 =	vld.idx.msk [tilespmem:v59+s14+$0x0], $0xffff;
	v2 =	vsel vm0, v36, v2;
	vm0 =	vle.f32 v55, v26;
	vm1 =	vle.f32 v56, v27  }
0x153: {  	v61 =	vld.idx.msk [tilespmem:v57+s14+$0x0], $0xffff;
	v62 =	vsel vm0, v46, v44;
	v39 =	vsel vm1, v47, v40;
	vm0 =	vle.f32 v58, v28  }
0x154: {  	v24 =	vmax.f32 v24, $0.0e+00;
	v50 =	vadd.s32 $0x11, v62;
	v3 =	vsel vm0, v48, v3  }
0x155: {  	v24 =	vmin.f32 v24, $7.843137720e-03;
	v20 =	vsub.f32 v20, v31;
	v31 =	vld.idx.msk [tilespmem:v57+s15+$0x0], $0xffff;
	v51 =	vadd.s32 $0x11, v3  }
0x156: {  	v22 =	vadd.f32 $-1.000000000e+00, v22;
	v24 =	vadd.f32 v30, v24;
	v30 =	vld.idx.msk [tilespmem:v60+s14+$0x0], $0xffff  }
0x157: {  	v4 =	vadd.f32 $-1.000000000e+00, v4;
	v52 =	vmul.f32 $4.613610220e-04, v49;
	v41 =	vadd.s32 v19, v57;
	v53 =	vld.idx.msk [tilespmem:v2+s14+$0x0], $0xffff  }
0x158: {  	v20 =	vmul.f32 v32, v20;
	vm0 =	vle.f32 v63, v23;
	v25 =	vsub.f32 v25, v61;
	v55 =	vld.idx.msk [tilespmem:v39+s14+$0x0], $0xffff  }
0x159: {  	v24 =	vadd.f32 $-1.000000000e+00, v24;
	v54 =	vadd.s32 v19, v2;
	v37 =	vsel vm0, v59, v38;
	v56 =	vld.idx.msk [tilespmem:v50+s14+$0x0], $0xffff  }
0x15a: {  	v20 =	vmax.f32 v20, $0.0e+00;
	v25 =	vmul.f32 v31, v25;
	v31 =	vcvt.s32.f32 v41;
	v57 =	vld.idx.msk [tilespmem:v51+s14+$0x0], $0xffff  }
0x15b: {  	v58 =	vcvt.s32.f32 v54;
	v2 =	vld.idx.msk [tilespmem:v2+s15+$0x0], $0xffff;
	v20 =	vmin.f32 v20, $7.843137720e-03;
	vm0 =	vle.f32 v30, v29  }
0x15c: {  	v25 =	vmax.f32 v25, $0.0e+00;
	v30 =	vmul.f32 $4.613610220e-04, v31;
	v31 =	vld.idx.msk [tilespmem:v39+s15+$0x0], $0xffff;
	v1 =	vsel vm0, v60, v1  }
0x15d: {  	v59 =	vmul.f32 $4.613610220e-04, v58;
	v20 =	vadd.f32 v52, v20;
	v25 =	vmin.f32 v25, $7.843137720e-03  }
0x15e: {  	v21 =	vsub.f32 v21, v53;
	v27 =	vsub.f32 v27, v55;
	vm0 =	vle.f32 v56, v26  }
0x15f: {  	v25 =	vadd.f32 v30, v25;
	v30 =	vld.idx.msk [tilespmem:v37+s14+$0x0], $0xffff;
	v60 =	vsel vm0, v50, v62;
	vm0 =	vle.f32 v57, v28  }
0x160: {  	v2 =	vmul.f32 v2, v21;
	v21 =	vadd.s32 v19, v39;
	v3 =	vsel vm0, v51, v3  }
0x161: {  	v62 =	vadd.s32 v19, v37;
	v21 =	vcvt.s32.f32 v21;
	v27 =	vmul.f32 v31, v27;
	v31 =	vld.idx.msk [tilespmem:v1+s14+$0x0], $0xffff  }
0x162: {  	v61 =	vld.idx.msk [tilespmem:v37+s15+$0x0], $0xffff;
	v20 =	vadd.f32 $-1.000000000e+00, v20;
	v36 =	vcvt.s32.f32 v62;
	v2 =	vmax.f32 v2, $0.0e+00  }
0x163: {  	v39 =	vadd.s32 v19, v60;
	v21 =	vmul.f32 $4.613610220e-04, v21;
	v63 =	vld.idx.msk [tilespmem:v1+s15+$0x0], $0xffff;
	v27 =	vmax.f32 v27, $0.0e+00  }
0x164: {  	v2 =	vmin.f32 v2, $7.843137720e-03;
	v23 =	vsub.f32 v23, v30;
	v27 =	vmin.f32 v27, $7.843137720e-03;
	v30 =	vld.idx.msk [tilespmem:v60+s14+$0x0], $0xffff  }
0x165: {  	v40 =	vcvt.s32.f32 v39;
	v36 =	vmul.f32 $4.613610220e-04, v36;
	v21 =	vadd.f32 v21, v27;
	v27 =	vld.idx.msk [tilespmem:v3+s14+$0x0], $0xffff  }
0x166: {  	v2 =	vadd.f32 v59, v2;
	v1 =	vadd.s32 v19, v1;
	v29 =	vsub.f32 v29, v31;
	v31 =	vld.idx.msk [tilespmem:v60+s15+$0x0], $0xffff  }
0x167: {  	v25 =	vadd.f32 $-1.000000000e+00, v25;
	v32 =	vmul.f32 $4.613610220e-04, v40;
	v1 =	vcvt.s32.f32 v1;
	v41 =	vld.idx.msk [tilespmem:v3+s15+$0x0], $0xffff  }
0x168: {  	v2 =	vadd.f32 $-1.000000000e+00, v2;
	v23 =	vmul.f32 v61, v23;
	v3 =	vadd.s32 v19, v3  }
0x169: {  	[tilespmem:s29+$0xFFFFFFF0] =	vst v34;
	v1 =	vmul.f32 $4.613610220e-04, v1;
	v3 =	vcvt.s32.f32 v3;
	v26 =	vsub.f32 v26, v30  }
0x16a: {  	s3 =	sadd.s32 $0x20, s28;
	[tilespmem:s28+$0xFFFFFFF0] =	vst v22;
	v23 =	vmax.f32 v23, $0.0e+00;
	v29 =	vmul.f32 v63, v29;
	v27 =	vsub.f32 v28, v27  }
0x16b: {  	s28 =	sadd.s32 $0x20, s3;
	[tilespmem:s3+$0x0] =	vst v4;
	v21 =	vadd.f32 $-1.000000000e+00, v21;
	v4 =	vmin.f32 v23, $7.843137720e-03;
	v22 =	vmul.f32 v31, v26  }
0x16c: {  	[tilespmem:s28+$0x0] =	vst v24;
	v3 =	vmul.f32 $4.613610220e-04, v3;
	v23 =	vmax.f32 v29, $0.0e+00;
	v24 =	vmul.f32 v41, v27  }
0x16d: {  	[tilespmem:s3+$0xFFFFFFF0] =	vst v20;
	s3 =	sadd.s32 $0x20, s28;
	v4 =	vadd.f32 v36, v4;
	v23 =	vmin.f32 v23, $7.843137720e-03;
	v20 =	vmax.f32 v22, $0.0e+00  }
0x16e: {  	[tilespmem:s3+$0x0] =	vst v25;
	v1 =	vadd.f32 v1, v23;
	v22 =	vmax.f32 v24, $0.0e+00;
	v20 =	vmin.f32 v20, $7.843137720e-03  }
0x16f: {  	[tilespmem:s28+$0xFFFFFFF0] =	vst v2;
	s28 =	sadd.s32 $0x20, s3;
	v2 =	vadd.f32 $-1.000000000e+00, v4;
	v4 =	vadd.f32 v32, v20;
	v20 =	vmin.f32 v22, $7.843137720e-03  }
0x170: {  	[tilespmem:s28+$0x0] =	vst v21;
	v1 =	vadd.f32 $-1.000000000e+00, v1;
	v3 =	vadd.f32 v3, v20  }
0x171: {  	s29 =	sshll.u32 s25, $0xF;
	[tilespmem:s3+$0xFFFFFFF0] =	vst v2;
	s3 =	sadd.s32 $0x20, s28;
	v2 =	vadd.f32 $-1.000000000e+00, v4  }
0x172: {  	s29 =	sor.u32 s6, s29;
	[tilespmem:s3+$0x0] =	vst v1;
	v1 =	vadd.f32 $-1.000000000e+00, v3  }
0x173: {  	[tilespmem:s28+$0xFFFFFFF0] =	vst v2;
	s28 =	sshrl.u32 s29, $0x3  }
0x174: {  	[tilespmem:s3+$0xFFFFFFF0] =	vst v1;
	s3 =	sadd.s32 s5, s28  }
0x175: {  	[hbm4b:s3+s7] =	stream.linear.scatter [tilespmem:s19], [sflag:$0x3], $0x4000, $0x38;
	[tilespmem:$0x12400] =	vst v63  }
0x176: {  	s3 =	smin.u32 s26, $0x1D  }
0x177: {  	s3 =	sshll.u32 s3, $0xE  }
0x178: {  	s3 =	sadd.s32 s3, s10  }
0x179: {  	s3 =	sshrl.u32 s3, $0x3  }
0x17a: {  	s3 =	sadd.s32 s1, s3  }
0x17b: {  	[tilespmem:s16], [sflag:$0x1] =	stream.linear.gather [hbm4b:s3+s7], $0x4000, $0x38;
	[tilespmem:$0x12400] =	vst v63  }
0x17c: {  	_ =	swait.ge [sflag:s20], $0x4000  }
0x17d: {  	[sflag:s20] =	ssyncset.done $0x0  }
0x17e: {  	s3 =	simm.s32 @!p0 $0x4;
	[sflag:s20] =	ssyncadd.s32 $0xFFFFC000  }
0x17f: {  	_ =	swait.ge @!p0 [sflag:s3], $0x4000  }
0x180: {  	[sflag:s3] =	ssyncset.done @!p0 $0x0  }
0x181: {  	[sflag:s3] =	ssyncadd.s32 @!p0 $0xFFFFC000  }
0x182: {  	s3 =	simm.s32 $0xA410;
	v1 =	vld.idx.msk [tilespmem:v17+s14+$0x0], $0xffff  }
0x183: {  	v26 =	vld [tilespmem:s3+$0x0];
	_ =	sdelay $0x4  }
0x184: {  	vm0 =	vle.f32 v1, v26  }
0x185: {  	v2 =	vsel vm0, v17, v0  }
0x186: {  	v3 =	vor.u32 $0x440, v2  }
0x187: {  	v4 =	vand.u32 $0xC80, v3  }
0x188: {  	v4 =	vor.u32 v18, v4;
	_ =	sdelay $0x1  }
0x189: {  	v30 =	vld [tilespmem:s3+$0xFFFFFFF0];
	_ =	sdelay $0x2  }
0x18a: {  	v4 =	vld.idx.msk [tilespmem:v4+s14+$0x0], $0xffff;
	_ =	sdelay $0x1  }
0x18b: {  	vm0 =	vle.f32 v1, v30  }
0x18c: {  	v1 =	vsel vm0, v17, v0  }
0x18d: {  	v20 =	vor.u32 $0x440, v1  }
0x18e: {  	s3 =	simm.s32 $0xA430;
	v21 =	vand.u32 $0xC80, v20;
	vm0 =	vle.f32 v4, v26  }
0x18f: {  	v28 =	vld [tilespmem:s3+$0x0];
	v4 =	vor.u32 v18, v21;
	v2 =	vsel vm0, v3, v2  }
0x190: {  	v21 =	vld.idx.msk [tilespmem:v17+s14+$0x0], $0xffff;
	v3 =	vor.u32 $0x220, v2;
	_ =	sdelay $0x3  }
0x191: {  	v4 =	vld.idx.msk [tilespmem:v4+s14+$0x0], $0xffff  }
0x192: {  	vm0 =	vle.f32 v21, v28;
	v23 =	vld.idx.msk [tilespmem:v3+s14+$0x0], $0xffff  }
0x193: {  	v24 =	vsel vm0, v17, v0  }
0x194: {  	v25 =	vor.u32 $0x440, v24  }
0x195: {  	v22 =	vand.u32 $0xC80, v25  }
0x196: {  	vm0 =	vle.f32 v4, v30;
	v4 =	vor.u32 v18, v22;
	v22 =	vld [tilespmem:s3+$0xFFFFFFF0]  }
0x197: {  	v1 =	vsel vm0, v20, v1;
	vm0 =	vle.f32 v23, v26  }
0x198: {  	v20 =	vor.u32 $0x220, v1;
	v2 =	vsel vm0, v3, v2  }
0x199: {  	v3 =	vor.u32 $0x110, v2;
	_ =	sdelay $0x1  }
0x19a: {  	v4 =	vld.idx.msk [tilespmem:v4+s14+$0x0], $0xffff;
	vm0 =	vle.f32 v21, v22  }
0x19b: {  	v23 =	vsel vm0, v17, v0  }
0x19c: {  	v21 =	vld.idx.msk [tilespmem:v20+s14+$0x0], $0xffff;
	v27 =	vor.u32 $0x440, v23  }
0x19d: {  	v31 =	vand.u32 $0xC80, v27;
	v29 =	vld.idx.msk [tilespmem:v3+s14+$0x0], $0xffff  }
0x19e: {  	s3 =	simm.s32 $0xA450;
	v42 =	vor.u32 v18, v31  }
0x19f: {  	v31 =	vld [tilespmem:s3+$0x0];
	vm0 =	vle.f32 v4, v28  }
0x1a0: {  	v4 =	vld.idx.msk [tilespmem:v17+s14+$0x0], $0xffff;
	v24 =	vsel vm0, v25, v24  }
0x1a1: {  	vm0 =	vle.f32 v21, v30;
	v21 =	vor.u32 $0x220, v24  }
0x1a2: {  	v1 =	vsel vm0, v20, v1;
	v20 =	vld [tilespmem:s3+$0xFFFFFFF0];
	vm0 =	vle.f32 v29, v26  }
0x1a3: {  	v25 =	vor.u32 $0x110, v1;
	v2 =	vsel vm0, v3, v2;
	v3 =	vld.idx.msk [tilespmem:v42+s14+$0x0], $0xffff  }
0x1a4: {  	v29 =	vadd.s32 $0x88, v2  }
0x1a5: {  	vm0 =	vle.f32 v4, v31  }
0x1a6: {  	v44 =	vsel vm0, v17, v0;
	v43 =	vld.idx.msk [tilespmem:v21+s14+$0x0], $0xffff  }
0x1a7: {  	vm0 =	vle.f32 v4, v20;
	v4 =	vor.u32 $0x440, v44  }
0x1a8: {  	v45 =	vld.idx.msk [tilespmem:v25+s14+$0x0], $0xffff;
	v46 =	vand.u32 $0xC80, v4;
	vm1 =	vle.f32 v3, v22  }
0x1a9: {  	v3 =	vsel vm0, v17, v0;
	v35 =	vor.u32 v18, v46;
	v47 =	vld.idx.msk [tilespmem:v29+s14+$0x0], $0xffff;
	v23 =	vsel vm1, v27, v23  }
0x1aa: {  	v27 =	vor.u32 $0x440, v3;
	v48 =	vor.u32 $0x220, v23  }
0x1ab: {  	v49 =	vand.u32 $0xC80, v27;
	vm0 =	vle.f32 v43, v28  }
0x1ac: {  	v50 =	vor.u32 v18, v49;
	v51 =	vsel vm0, v21, v24  }
0x1ad: {  	vm0 =	vle.f32 v45, v30;
	v52 =	vor.u32 $0x110, v51  }
0x1ae: {  	v1 =	vsel vm0, v25, v1;
	v21 =	vld.idx.msk [tilespmem:v35+s14+$0x0], $0xffff;
	vm0 =	vle.f32 v47, v26  }
0x1af: {  	v25 =	vadd.s32 $0x88, v1;
	v2 =	vsel vm0, v29, v2;
	v24 =	vld.idx.msk [tilespmem:v48+s14+$0x0], $0xffff  }
0x1b0: {  	v29 =	vadd.s32 $0x44, v2  }
0x1b1: {  	v32 =	vld.idx.msk [tilespmem:v50+s14+$0x0], $0xffff  }
0x1b2: {  	v53 =	vld.idx.msk [tilespmem:v52+s14+$0x0], $0xffff  }
0x1b3: {  	v56 =	vld.idx.msk [tilespmem:v17+s14+$0x0], $0xffff;
	vm0 =	vle.f32 v21, v31  }
0x1b4: {  	v54 =	vld.idx.msk [tilespmem:v25+s14+$0x0], $0xffff;
	v4 =	vsel vm0, v4, v44;
	vm1 =	vle.f32 v24, v22  }
0x1b5: {  	s3 =	simm.s32 $0xA470;
	v57 =	vor.u32 $0x220, v4;
	v55 =	vld.idx.msk [tilespmem:v29+s14+$0x0], $0xffff;
	v23 =	vsel vm1, v48, v23  }
0x1b6: {  	v24 =	vld [tilespmem:s3+$0x0];
	vm0 =	vle.f32 v32, v20;
	v37 =	vor.u32 $0x110, v23  }
0x1b7: {  	v21 =	vld [tilespmem:s3+$0xFFFFFFF0];
	v3 =	vsel vm0, v27, v3;
	vm0 =	vle.f32 v53, v28  }
0x1b8: {  	v27 =	vor.u32 $0x220, v3;
	v34 =	vsel vm0, v52, v51  }
0x1b9: {  	v58 =	vadd.s32 $0x88, v34  }
0x1ba: {  	v59 =	vld.idx.msk [tilespmem:v57+s14+$0x0], $0xffff;
	vm0 =	vle.f32 v55, v26  }
0x1bb: {  	vm1 =	vle.f32 v54, v30;
	v2 =	vsel vm0, v29, v2;
	v29 =	vld.idx.msk [tilespmem:v37+s14+$0x0], $0xffff;
	vm0 =	vle.f32 v56, v24  }
0x1bc: {  	v60 =	vadd.s32 $0x22, v2;
	v36 =	vsel vm0, v17, v0;
	vm0 =	vle.f32 v56, v21  }
0x1bd: {  	v1 =	vsel vm1, v25, v1;
	v61 =	vld.idx.msk [tilespmem:v27+s14+$0x0], $0xffff;
	v25 =	vor.u32 $0x440, v36;
	v40 =	vsel vm0, v17, v0  }
0x1be: {  	v62 =	vld.idx.msk [tilespmem:v58+s14+$0x0], $0xffff;
	v63 =	vand.u32 $0xC80, v25;
	v48 =	vor.u32 $0x440, v40  }
0x1bf: {  	vm0 =	vle.f32 v59, v31;
	v43 =	vor.u32 v18, v63;
	v49 =	vand.u32 $0xC80, v48  }
0x1c0: {  	v4 =	vsel vm0, v57, v4;
	vm1 =	vle.f32 v29, v22;
	v29 =	vor.u32 v18, v49  }
0x1c1: {  	v50 =	vld.idx.msk [tilespmem:v60+s14+$0x0], $0xffff;
	v51 =	vsel vm1, v37, v23;
	v23 =	vor.u32 $0x110, v4  }
0x1c2: {  	v42 =	vadd.s32 $0x44, v1;
	vm0 =	vle.f32 v61, v20  }
0x1c3: {  	v61 =	vld.idx.msk [tilespmem:v17+s14+$0x0], $0xffff;
	v52 =	vadd.s32 $0x88, v51;
	v3 =	vsel vm0, v27, v3;
	vm0 =	vle.f32 v62, v28  }
0x1c4: {  	v53 =	vor.u32 $0x110, v3;
	v34 =	vsel vm0, v58, v34;
	v54 =	vld.idx.msk [tilespmem:v43+s14+$0x0], $0xffff  }
0x1c5: {  	v55 =	vadd.s32 $0x44, v34;
	v29 =	vld.idx.msk [tilespmem:v29+s14+$0x0], $0xffff  }
0x1c6: {  	vm0 =	vle.f32 v50, v26;
	v56 =	vld.idx.msk [tilespmem:v23+s14+$0x0], $0xffff  }
0x1c7: {  	v27 =	vld.idx.msk [tilespmem:v42+s14+$0x0], $0xffff;
	v2 =	vsel vm0, v60, v2  }
0x1c8: {  	v57 =	vld.idx.msk [tilespmem:v52+s14+$0x0], $0xffff;
	v58 =	vadd.s32 $0x11, v2  }
0x1c9: {  	v59 =	vld.idx.msk [tilespmem:v53+s14+$0x0], $0xffff;
	vm0 =	vle.f32 v54, v24  }
0x1ca: {  	s3 =	simm.s32 $0xA490;
	v60 =	vld.idx.msk [tilespmem:v55+s14+$0x0], $0xffff;
	vm1 =	vle.f32 v29, v21;
	v29 =	vsel vm0, v25, v36  }
0x1cb: {  	v25 =	vld [tilespmem:s3+$0x0];
	v36 =	vor.u32 $0x220, v29;
	vm0 =	vle.f32 v56, v31  }
0x1cc: {  	v40 =	vsel vm1, v48, v40;
	vm1 =	vle.f32 v27, v30;
	v4 =	vsel vm0, v23, v4;
	v23 =	vld [tilespmem:s3+$0xFFFFFFF0]  }
0x1cd: {  	v62 =	vor.u32 $0x220, v40;
	v1 =	vsel vm1, v42, v1;
	vm0 =	vle.f32 v57, v22;
	v27 =	vld.idx.msk [tilespmem:v58+s14+$0x0], $0xffff  }
0x1ce: {  	v63 =	vadd.s32 $0x88, v4;
	v32 =	vsel vm0, v52, v51;
	vm0 =	vle.f32 v59, v20  }
0x1cf: {  	v44 =	vadd.s32 $0x22, v1;
	vm1 =	vle.f32 v60, v28;
	v3 =	vsel vm0, v53, v3  }
0x1d0: {  	v37 =	vadd.s32 $0x44, v32;
	v33 =	vsel vm1, v55, v34;
	vm0 =	vle.f32 v61, v25  }
0x1d1: {  	v39 =	vadd.s32 $0x88, v3;
	v53 =	vld.idx.msk [tilespmem:v36+s14+$0x0], $0xffff;
	v35 =	vadd.s32 $0x22, v33;
	v41 =	vsel vm0, v17, v0  }
0x1d2: {  	v54 =	vld.idx.msk [tilespmem:v62+s14+$0x0], $0xffff;
	vm0 =	vle.f32 v61, v23;
	v46 =	vor.u32 $0x440, v41;
	vm1 =	vle.f32 v27, v26  }
0x1d3: {  	v27 =	vld.idx.msk [tilespmem:v63+s14+$0x0], $0xffff;
	v47 =	vsel vm0, v17, v0;
	v55 =	vand.u32 $0xC80, v46;
	v2 =	vsel vm1, v58, v2  }
0x1d4: {  	v56 =	vld.idx.msk [tilespmem:v44+s14+$0x0], $0xffff;
	v49 =	vor.u32 $0x440, v47;
	v48 =	vor.u32 v18, v55  }
0x1d5: {  	v59 =	vld.idx.msk [tilespmem:v37+s14+$0x0], $0xffff;
	v57 =	vand.u32 $0xC80, v49  }
0x1d6: {  	vm0 =	vle.f32 v53, v24;
	v58 =	vld.idx.msk [tilespmem:v35+s14+$0x0], $0xffff;
	v50 =	vor.u32 v18, v57  }
0x1d7: {  	v60 =	vld.idx.msk [tilespmem:v39+s14+$0x0], $0xffff;
	v29 =	vsel vm0, v36, v29;
	vm0 =	vle.f32 v54, v21  }
0x1d8: {  	v61 =	vor.u32 $0x110, v29;
	v38 =	vsel vm0, v62, v40;
	vm0 =	vle.f32 v27, v31;
	v27 =	vld.idx.msk [tilespmem:v2+s14+$0x0], $0xffff  }
0x1d9: {  	v40 =	vor.u32 $0x110, v38;
	v4 =	vsel vm0, v63, v4;
	v62 =	vld.idx.msk [tilespmem:v48+s14+$0x0], $0xffff  }
0x1da: {  	v63 =	vld.idx.msk [tilespmem:v2+s15+$0x0], $0xffff;
	v48 =	vadd.s32 $0x44, v4  }
0x1db: {  	vm1 =	vle.f32 v59, v22;
	vm0 =	vle.f32 v58, v28;
	v54 =	vld.idx.msk [tilespmem:v50+s14+$0x0], $0xffff  }
0x1dc: {  	v2 =	vadd.s32 v19, v2;
	v32 =	vsel vm1, v37, v32;
	v58 =	vld.idx.msk [tilespmem:v17+s14+$0x0], $0xffff;
	v33 =	vsel vm0, v35, v33  }
0x1dd: {  	v2 =	vcvt.s32.f32 v2;
	vm0 =	vle.f32 v56, v30;
	v55 =	vld.idx.msk [tilespmem:v61+s14+$0x0], $0xffff;
	v43 =	vadd.s32 $0x11, v33  }
0x1de: {  	v45 =	vadd.s32 $0x22, v32;
	v1 =	vsel vm0, v44, v1;
	vm0 =	vle.f32 v60, v20;
	v56 =	vld.idx.msk [tilespmem:v40+s14+$0x0], $0xffff  }
0x1df: {  	s3 =	simm.s32 $0xA4B0;
	v3 =	vsel vm0, v39, v3;
	v26 =	vsub.f32 v26, v27;
	vm0 =	vle.f32 v62, v25;
	v57 =	vld.idx.msk [tilespmem:v48+s14+$0x0], $0xffff  }
0x1e0: {  	v27 =	vld [tilespmem:s3+$0x0];
	v44 =	vadd.s32 $0x44, v3;
	v34 =	vsel vm0, v46, v41;
	vm1 =	vle.f32 v54, v23  }
0x1e1: {  	v59 =	vmul.f32 v63, v26;
	v41 =	vor.u32 $0x220, v34;
	v26 =	vld [tilespmem:s3+$0xFFFFFFF0];
	v46 =	vsel vm1, v49, v47  }
0x1e2: {  	v2 =	vmul.f32 $4.613610220e-04, v2;
	vm0 =	vle.f32 v55, v24;
	v60 =	vld.idx.msk [tilespmem:v43+s14+$0x0], $0xffff;
	v47 =	vor.u32 $0x220, v46  }
0x1e3: {  	v37 =	vadd.s32 $0x11, v1;
	v29 =	vsel vm0, v61, v29;
	v61 =	vmax.f32 v59, $0.0e+00  }
0x1e4: {  	vm0 =	vle.f32 v56, v21;
	v50 =	vadd.s32 $0x88, v29;
	vm1 =	vle.f32 v57, v31  }
0x1e5: {  	v62 =	vld.idx.msk [tilespmem:v44+s14+$0x0], $0xffff;
	v38 =	vsel vm0, v40, v38;
	vm0 =	vle.f32 v58, v27;
	v4 =	vsel vm1, v48, v4  }
0x1e6: {  	v63 =	vld.idx.msk [tilespmem:v41+s14+$0x0], $0xffff;
	v40 =	vadd.s32 $0x88, v38;
	v48 =	vsel vm0, v17, v0;
	vm0 =	vle.f32 v58, v26  }
0x1e7: {  	v51 =	vadd.s32 $0x22, v4;
	v42 =	vor.u32 $0x440, v48;
	v52 =	vld.idx.msk [tilespmem:v47+s14+$0x0], $0xffff;
	vm1 =	vle.f32 v60, v28  }
0x1e8: {  	v35 =	vsel vm0, v17, v0;
	v59 =	vand.u32 $0xC80, v42;
	v60 =	vld.idx.msk [tilespmem:v45+s14+$0x0], $0xffff;
	v33 =	vsel vm1, v43, v33  }
0x1e9: {  	v49 =	vmin.f32 v61, $7.843137720e-03;
	v55 =	vor.u32 $0x440, v35;
	v53 =	vor.u32 v18, v59;
	v54 =	vld.idx.msk [tilespmem:v50+s14+$0x0], $0xffff  }
0x1ea: {  	v61 =	vld.idx.msk [tilespmem:v37+s14+$0x0], $0xffff;
	v2 =	vadd.f32 v2, v49;
	vm0 =	vle.f32 v62, v20;
	v62 =	vand.u32 $0xC80, v55  }
0x1eb: {  	v3 =	vsel vm0, v44, v3;
	v36 =	vor.u32 v18, v62;
	vm0 =	vle.f32 v63, v25;
	v57 =	vld.idx.msk [tilespmem:v40+s14+$0x0], $0xffff  }
0x1ec: {  	v63 =	vld.idx.msk [tilespmem:v51+s14+$0x0], $0xffff;
	v49 =	vadd.s32 $0x22, v3;
	v34 =	vsel vm0, v41, v34;
	vm0 =	vle.f32 v52, v23  }
0x1ed: {  	v41 =	vor.u32 $0x110, v34;
	vm1 =	vle.f32 v60, v22;
	v58 =	vld.idx.msk [tilespmem:v33+s14+$0x0], $0xffff;
	v46 =	vsel vm0, v47, v46  }
0x1ee: {  	v59 =	vld.idx.msk [tilespmem:v53+s14+$0x0], $0xffff;
	v45 =	vsel vm1, v45, v32;
	vm0 =	vle.f32 v54, v24;
	v47 =	vor.u32 $0x110, v46  }
0x1ef: {  	v52 =	vadd.s32 $0x11, v45;
	v50 =	vsel vm0, v50, v29;
	vm0 =	vle.f32 v61, v30;
	v29 =	vld.idx.msk [tilespmem:v33+s15+$0x0], $0xffff  }
0x1f0: {  	v32 =	vld.idx.msk [tilespmem:v36+s14+$0x0], $0xffff;
	vm1 =	vle.f32 v57, v21;
	v33 =	vadd.s32 v19, v33;
	v1 =	vsel vm0, v37, v1  }
0x1f1: {  	v53 =	vadd.s32 $0x44, v50;
	vm0 =	vle.f32 v63, v31;
	v37 =	vld.idx.msk [tilespmem:v49+s14+$0x0], $0xffff;
	v60 =	vadd.s32 v19, v1  }
0x1f2: {  	v38 =	vsel vm1, v40, v38;
	v4 =	vsel vm0, v51, v4;
	v61 =	vld.idx.msk [tilespmem:v41+s14+$0x0], $0xffff;
	v36 =	vcvt.s32.f32 v60  }
0x1f3: {  	v33 =	vcvt.s32.f32 v33;
	v51 =	vadd.s32 $0x11, v4;
	v28 =	vsub.f32 v28, v58;
	v62 =	vld.idx.msk [tilespmem:v47+s14+$0x0], $0xffff  }
0x1f4: {  	s31 =	simm.s32 $0xA4D0;
	v54 =	vadd.s32 $0x44, v38;
	vm0 =	vle.f32 v59, v27;
	v59 =	vmul.f32 $4.613610220e-04, v36;
	v36 =	vld.idx.msk [tilespmem:v17+s14+$0x0], $0xffff  }
0x1f5: {  	v60 =	vmul.f32 $4.613610220e-04, v33;
	v42 =	vsel vm0, v42, v48;
	v28 =	vmul.f32 v29, v28;
	v29 =	vld [tilespmem:s31+$0x0]  }
0x1f6: {  	vm0 =	vle.f32 v32, v26;
	v48 =	vor.u32 $0x220, v42;
	v63 =	vld.idx.msk [tilespmem:v53+s14+$0x0], $0xffff;
	vm1 =	vle.f32 v37, v20  }
0x1f7: {  	v55 =	vsel vm0, v55, v35;
	v28 =	vmax.f32 v28, $0.0e+00;
	v32 =	vsel vm1, v49, v3;
	v3 =	vld.idx.msk [tilespmem:v1+s14+$0x0], $0xffff  }
0x1f8: {  	vm0 =	vle.f32 v61, v25;
	v39 =	vor.u32 $0x220, v55;
	v33 =	vld.idx.msk [tilespmem:v51+s14+$0x0], $0xffff;
	v61 =	vmin.f32 v28, $7.843137720e-03  }
0x1f9: {  	v28 =	vld [tilespmem:s31+$0xFFFFFFF0];
	v56 =	vsel vm0, v41, v34;
	v34 =	vadd.f32 v60, v61;
	vm0 =	vle.f32 v62, v23  }
0x1fa: {  	v35 =	vld.idx.msk [tilespmem:v54+s14+$0x0], $0xffff;
	v57 =	vadd.s32 $0x88, v56;
	v37 =	vsel vm0, v47, v46;
	vm2 =	vle.f32 v36, v29  }
0x1fb: {  	v1 =	vld.idx.msk [tilespmem:v1+s15+$0x0], $0xffff;
	vm0 =	vle.f32 v63, v24;
	v58 =	vadd.s32 $0x88, v37;
	v40 =	vsel vm2, v17, v0  }
0x1fc: {  	v47 =	vld.idx.msk [tilespmem:v48+s14+$0x0], $0xffff;
	v61 =	vadd.f32 $-1.000000000e+00, v34;
	v53 =	vsel vm0, v53, v50;
	v44 =	vor.u32 $0x440, v40  }
0x1fd: {  	v43 =	vld.idx.msk [tilespmem:v52+s14+$0x0], $0xffff;
	v3 =	vsub.f32 v30, v3;
	v60 =	vadd.s32 $0x22, v53;
	vm1 =	vle.f32 v33, v31  }
0x1fe: {  	vm0 =	vle.f32 v36, v28;
	v36 =	vld.idx.msk [tilespmem:v39+s14+$0x0], $0xffff;
	v62 =	vand.u32 $0xC80, v44;
	v4 =	vsel vm1, v51, v4  }
0x1ff: {  	v41 =	vsel vm0, v17, v0;
	v49 =	vld.idx.msk [tilespmem:v57+s14+$0x0], $0xffff;
	v50 =	vor.u32 v18, v62;
	vm0 =	vle.f32 v35, v21  }
0x200: {  	v1 =	vmul.f32 v1, v3;
	v46 =	vor.u32 $0x440, v41;
	v34 =	vsel vm0, v54, v38  }
0x201: {  	vm0 =	vle.f32 v47, v27;
	v63 =	vand.u32 $0xC80, v46;
	v38 =	vld.idx.msk [tilespmem:v58+s14+$0x0], $0xffff;
	v35 =	vadd.s32 $0x22, v34  }
0x202: {  	v47 =	vsel vm0, v48, v42;
	vm0 =	vle.f32 v43, v22;
	v54 =	vor.u32 v18, v63;
	v42 =	vld.idx.msk [tilespmem:v60+s14+$0x0], $0xffff  }
0x203: {  	v51 =	vor.u32 $0x110, v47;
	vm1 =	vle.f32 v36, v26;
	v36 =	vsel vm0, v52, v45;
	v52 =	vld.idx.msk [tilespmem:v4+s14+$0x0], $0xffff  }
0x204: {  	v33 =	vadd.s32 $0x11, v32;
	v62 =	vld.idx.msk [tilespmem:v50+s14+$0x0], $0xffff;
	v48 =	vsel vm1, v39, v55;
	vm0 =	vle.f32 v49, v25  }
0x205: {  	v1 =	vmax.f32 v1, $0.0e+00;
	v63 =	vld.idx.msk [tilespmem:v4+s15+$0x0], $0xffff;
	v50 =	vor.u32 $0x110, v48;
	v45 =	vsel vm0, v57, v56  }
0x206: {  	v30 =	vadd.s32 v19, v36;
	vm0 =	vle.f32 v38, v23;
	v49 =	vadd.s32 $0x44, v45;
	v43 =	vld.idx.msk [tilespmem:v35+s14+$0x0], $0xffff  }
0x207: {  	v3 =	vcvt.s32.f32 v30;
	v56 =	vld.idx.msk [tilespmem:v54+s14+$0x0], $0xffff;
	v38 =	vsel vm0, v58, v37;
	vm0 =	vle.f32 v42, v24  }
0x208: {  	v2 =	vadd.f32 $-1.000000000e+00, v2;
	v1 =	vmin.f32 v1, $7.843137720e-03;
	v57 =	vld.idx.msk [tilespmem:v51+s14+$0x0], $0xffff;
	v42 =	vsel vm0, v60, v53  }
0x209: {  	s30 =	simm.s32 $0xE410;
	v30 =	vmul.f32 $4.613610220e-04, v3;
	v37 =	vld.idx.msk [tilespmem:v33+s14+$0x0], $0xffff;
	v3 =	vsub.f32 v31, v52;
	v31 =	vadd.s32 $0x11, v42  }
0x20a: {  	s29 =	simm.s32 $0xE430;
	[tilespmem:s30+$0x0] =	vst v2;
	v2 =	vadd.s32 v19, v4;
	v39 =	vadd.s32 $0x44, v38;
	v52 =	vadd.f32 v59, v1;
	v58 =	vld.idx.msk [tilespmem:v50+s14+$0x0], $0xffff  }
0x20b: {  	s3 =	simm.s32 $0xC0;
	[tilespmem:s29+$0x0] =	vst v61;
	vm0 =	vle.f32 v62, v29;
	v53 =	vcvt.s32.f32 v2;
	v55 =	vld.idx.msk [tilespmem:v49+s14+$0x0], $0xffff;
	v54 =	vmul.f32 v63, v3  }
.LBB2_9:
0x20c: {  	v1 =	vld.idx.msk [tilespmem:v17+s14+$0x0], $0xffff;
	vm1 =	vle.f32 v56, v28;
	v2 =	vsel vm0, v44, v40;
	s31 =	sadd.s32 $0x20, s31;
	v3 =	vadd.f32 $-1.000000000e+00, v52  }
0x20d: {  	s3 =	sadd.s32 $0x20, s3;
	v4 =	vld [tilespmem:s31+$0x0];
	v52 =	vor.u32 $0x220, v2;
	v40 =	vmax.f32 v54, $0.0e+00;
	v44 =	vmul.f32 $4.613610220e-04, v53  }
0x20e: {  	p0 =	slt.u32 s3, $0x3FE0;
	v53 =	vsel vm1, v46, v41;
	vm0 =	vle.f32 v57, v27;
	v41 =	vld.idx.msk [tilespmem:v31+s14+$0x0], $0xffff;
	v40 =	vmin.f32 v40, $7.843137720e-03;
	[tilespmem:s30+$0xFFFFFFF0] =	vst v3;
	s30 =	smov.u32 s29  }
0x20f: {  	v54 =	vor.u32 $0x220, v53;
	v56 =	vsel vm0, v51, v47;
	v3 =	vld [tilespmem:s31+$0xFFFFFFF0];
	v40 =	vadd.f32 v44, v40  }
0x210: {  	vm1 =	vle.f32 v43, v21;
	vm0 =	vle.f32 v58, v26;
	v57 =	vadd.s32 $0x88, v56;
	v47 =	vld.idx.msk [tilespmem:v39+s14+$0x0], $0xffff  }
0x211: {  	v43 =	vsel vm0, v50, v48;
	vm0 =	vle.f32 v55, v25;
	v44 =	vadd.f32 $-1.000000000e+00, v40;
	v48 =	vld.idx.msk [tilespmem:v36+s14+$0x0], $0xffff  }
0x212: {  	s29 =	sadd.s32 $0x20, s29;
	v55 =	vadd.s32 $0x88, v43;
	v58 =	vsel vm0, v49, v45;
	vm2 =	vle.f32 v1, v4;
	v50 =	vld.idx.msk [tilespmem:v52+s14+$0x0], $0xffff  }
0x213: {  	v60 =	vsel vm1, v35, v34;
	v59 =	vadd.s32 $0x22, v58;
	v40 =	vsel vm2, v17, v0;
	[tilespmem:s29+$0x0] =	vst v44;
	v49 =	vld.idx.msk [tilespmem:v36+s15+$0x0], $0xffff  }
0x214: {  	vm1 =	vle.f32 v41, v24;
	vm0 =	vle.f32 v1, v3;
	v44 =	vor.u32 $0x440, v40;
	v1 =	vld.idx.msk [tilespmem:v54+s14+$0x0], $0xffff  }
0x215: {  	v61 =	vsel vm1, v31, v42;
	v41 =	vsel vm0, v17, v0;
	v34 =	vand.u32 $0xC80, v44;
	v45 =	vld.idx.msk [tilespmem:v57+s14+$0x0], $0xffff  }
0x216: {  	vm0 =	vle.f32 v47, v23;
	v46 =	vor.u32 $0x440, v41;
	v31 =	vor.u32 v18, v34  }
0x217: {  	v62 =	vadd.s32 $0x11, v60;
	v34 =	vsel vm0, v39, v38;
	v35 =	vand.u32 $0xC80, v46;
	v42 =	vld.idx.msk [tilespmem:v55+s14+$0x0], $0xffff  }
0x218: {  	vm0 =	vle.f32 v50, v29;
	v38 =	vor.u32 v18, v35;
	v35 =	vadd.s32 $0x22, v34;
	v39 =	vld.idx.msk [tilespmem:v59+s14+$0x0], $0xffff  }
0x219: {  	v47 =	vsel vm0, v52, v2;
	vm0 =	vle.f32 v37, v20;
	v2 =	vsub.f32 v22, v48;
	v22 =	vmovc v20  }
0x21a: {  	v20 =	vmovc v21;
	vm1 =	vle.f32 v1, v28;
	v51 =	vor.u32 $0x110, v47;
	v36 =	vsel vm0, v33, v32;
	v1 =	vld.idx.msk [tilespmem:v61+s14+$0x0], $0xffff  }
0x21b: {  	v48 =	vsel vm1, v54, v53;
	vm0 =	vle.f32 v45, v27;
	v63 =	vld.idx.msk [tilespmem:v31+s14+$0x0], $0xffff;
	v31 =	vadd.s32 v19, v36  }
0x21c: {  	v21 =	vmovc v23;
	v2 =	vmul.f32 v49, v2;
	v50 =	vor.u32 $0x110, v48;
	v45 =	vsel vm0, v57, v56;
	v53 =	vld.idx.msk [tilespmem:v61+s15+$0x0], $0xffff  }
0x21d: {  	v23 =	vmovc v26;
	vm0 =	vle.f32 v42, v26;
	v49 =	vadd.s32 $0x44, v45;
	v31 =	vcvt.s32.f32 v31;
	v26 =	vmovc v28;
	v56 =	vld.idx.msk [tilespmem:v38+s14+$0x0], $0xffff  }
.Ltmp3:
0x21e: {  	v2 =	vmax.f32 v2, $0.0e+00;
	v28 =	vmovc v3;
	v38 =	vsel vm0, v55, v43;
	vm0 =	vle.f32 v39, v25;
	v43 =	vld.idx.msk [tilespmem:v35+s14+$0x0], $0xffff;
	(pc) =	sbr.rel @p0 .LBB2_9-.Ltmp3, $4  }
0x21f: {  	v32 =	vmovc v60;
	v33 =	vmovc v62;
	v39 =	vadd.s32 $0x44, v38;
	v42 =	vsel vm0, v59, v58;
	v3 =	vmul.f32 $4.613610220e-04, v31;
	v57 =	vld.idx.msk [tilespmem:v51+s14+$0x0], $0xffff  }
0x220: {  	v2 =	vmin.f32 v2, $7.843137720e-03;
	v31 =	vadd.s32 $0x11, v42;
	v1 =	vsub.f32 v24, v1;
	v24 =	vmovc v25;
	v25 =	vmovc v27;
	v37 =	vld.idx.msk [tilespmem:v62+s14+$0x0], $0xffff  }
0x221: {  	v59 =	vadd.s32 v19, v61;
	v52 =	vadd.f32 v30, v2;
	v27 =	vmovc v29;
	v29 =	vmov v4;
	v58 =	vld.idx.msk [tilespmem:v50+s14+$0x0], $0xffff  }
0x222: {  	vm0 =	vle.f32 v63, v29;
	v30 =	vmovc v3;
	v54 =	vmul.f32 v53, v1;
	v53 =	vcvt.s32.f32 v59;
	v55 =	vld.idx.msk [tilespmem:v49+s14+$0x0], $0xffff  }
0x223: {  	v1 =	vsel vm0, v44, v40  }
0x224: {  	v2 =	vor.u32 $0x220, v1  }
0x225: {  	vm8 =	vle.f32 v56, v28  }
0x226: {  	v3 =	vsel vm8, v46, v41  }
0x227: {  	v4 =	vor.u32 $0x220, v3;
	_ =	sdelay $0x1  }
0x228: {  	v60 =	vld.idx.msk [tilespmem:v2+s14+$0x0], $0xffff;
	_ =	sdelay $0x2  }
0x229: {  	vm10 =	vle.f32 v57, v27;
	v61 =	vld.idx.msk [tilespmem:v4+s14+$0x0], $0xffff  }
0x22a: {  	v62 =	vsel vm10, v51, v47  }
0x22b: {  	v63 =	vadd.s32 $0x88, v62;
	vm9 =	vle.f32 v60, v29  }
0x22c: {  	v1 =	vsel vm9, v2, v1  }
0x22d: {  	v2 =	vor.u32 $0x110, v1  }
0x22e: {  	vm11 =	vle.f32 v61, v28  }
0x22f: {  	v3 =	vsel vm11, v4, v3  }
0x230: {  	v56 =	vld.idx.msk [tilespmem:v63+s14+$0x0], $0xffff;
	v4 =	vor.u32 $0x110, v3;
	_ =	sdelay $0x1  }
0x231: {  	v51 =	vld.idx.msk [tilespmem:v2+s14+$0x0], $0xffff;
	_ =	sdelay $0x2  }
0x232: {  	vm14 =	vle.f32 v56, v27;
	v57 =	vld.idx.msk [tilespmem:v4+s14+$0x0], $0xffff  }
0x233: {  	v40 =	vsel vm14, v63, v62  }
0x234: {  	v41 =	vadd.s32 $0x44, v40;
	vm12 =	vle.f32 v51, v29  }
0x235: {  	vm13 =	vle.f32 v58, v26;
	v1 =	vsel vm12, v2, v1  }
0x236: {  	v58 =	vsel vm13, v50, v48;
	v2 =	vadd.s32 $0x88, v1  }
0x237: {  	v59 =	vadd.s32 $0x88, v58;
	vm15 =	vle.f32 v57, v28  }
0x238: {  	v3 =	vsel vm15, v4, v3  }
0x239: {  	v62 =	vld.idx.msk [tilespmem:v41+s14+$0x0], $0xffff;
	v4 =	vadd.s32 $0x88, v3;
	_ =	sdelay $0x1  }
0x23a: {  	v60 =	vld.idx.msk [tilespmem:v2+s14+$0x0], $0xffff  }
0x23b: {  	v61 =	vld.idx.msk [tilespmem:v59+s14+$0x0], $0xffff  }
0x23c: {  	vm4 =	vle.f32 v55, v25  }
0x23d: {  	v45 =	vsel vm4, v49, v45;
	vm7 =	vle.f32 v62, v27;
	v63 =	vld.idx.msk [tilespmem:v4+s14+$0x0], $0xffff  }
0x23e: {  	v55 =	vadd.s32 $0x22, v45;
	v40 =	vsel vm7, v41, v40  }
0x23f: {  	v49 =	vadd.s32 $0x22, v40;
	vm5 =	vle.f32 v60, v29  }
0x240: {  	vm6 =	vle.f32 v61, v26;
	v1 =	vsel vm5, v2, v1  }
0x241: {  	v44 =	vsel vm6, v59, v58;
	v57 =	vld.idx.msk [tilespmem:v39+s14+$0x0], $0xffff;
	v2 =	vadd.s32 $0x44, v1  }
0x242: {  	v56 =	vld.idx.msk [tilespmem:v31+s14+$0x0], $0xffff;
	v48 =	vadd.s32 $0x44, v44;
	vm8 =	vle.f32 v63, v28  }
0x243: {  	v58 =	vld.idx.msk [tilespmem:v55+s14+$0x0], $0xffff;
	v3 =	vsel vm8, v4, v3  }
0x244: {  	v61 =	vld.idx.msk [tilespmem:v49+s14+$0x0], $0xffff;
	v4 =	vadd.s32 $0x44, v3;
	_ =	sdelay $0x1  }
0x245: {  	vm1 =	vle.f32 v57, v23;
	v59 =	vld.idx.msk [tilespmem:v2+s14+$0x0], $0xffff  }
0x246: {  	v38 =	vsel vm1, v39, v38;
	v60 =	vld.idx.msk [tilespmem:v48+s14+$0x0], $0xffff  }
0x247: {  	vm9 =	vle.f32 v56, v24;
	vm10 =	vle.f32 v58, v25;
	v41 =	vadd.s32 $0x22, v38;
	v63 =	vld.idx.msk [tilespmem:v36+s14+$0x0], $0xffff  }
0x248: {  	v31 =	vsel vm9, v31, v42;
	v42 =	vsel vm10, v55, v45;
	vm14 =	vle.f32 v61, v27;
	v62 =	vld.idx.msk [tilespmem:v4+s14+$0x0], $0xffff  }
0x249: {  	v51 =	vadd.s32 $0x11, v42;
	v40 =	vsel vm14, v49, v40  }
0x24a: {  	vm4 =	vle.f32 v37, v20;
	v56 =	vld.idx.msk [tilespmem:v36+s15+$0x0], $0xffff;
	v47 =	vadd.s32 $0x11, v40;
	vm11 =	vle.f32 v59, v29  }
0x24b: {  	vm12 =	vle.f32 v43, v21;
	vm13 =	vle.f32 v60, v26;
	v1 =	vsel vm11, v2, v1  }
0x24c: {  	v58 =	vld.idx.msk [tilespmem:v41+s14+$0x0], $0xffff;
	v44 =	vsel vm13, v48, v44;
	v2 =	vsel vm12, v35, v34;
	v35 =	vadd.s32 $0x22, v1  }
0x24d: {  	v57 =	vld.idx.msk [tilespmem:v31+s14+$0x0], $0xffff;
	v22 =	vsub.f32 v22, v63;
	v46 =	vadd.s32 $0x22, v44;
	vm15 =	vle.f32 v62, v28  }
0x24e: {  	v55 =	vmax.f32 v54, $0.0e+00;
	v59 =	vld.idx.msk [tilespmem:v51+s14+$0x0], $0xffff;
	v36 =	vadd.s32 $0x11, v2;
	v3 =	vsel vm15, v4, v3  }
0x24f: {  	v61 =	vmin.f32 v55, $7.843137720e-03;
	v22 =	vmul.f32 v56, v22;
	v55 =	vld.idx.msk [tilespmem:v47+s14+$0x0], $0xffff;
	v48 =	vadd.s32 $0x22, v3  }
0x250: {  	v32 =	vsel vm4, v33, v32;
	v60 =	vld.idx.msk [tilespmem:v31+s15+$0x0], $0xffff;
	v31 =	vadd.s32 v19, v31  }
0x251: {  	v63 =	vadd.s32 v19, v32;
	vm5 =	vle.f32 v58, v23;
	v22 =	vmax.f32 v22, $0.0e+00;
	v62 =	vld.idx.msk [tilespmem:v35+s14+$0x0], $0xffff  }
0x252: {  	v49 =	vcvt.s32.f32 v63;
	v38 =	vsel vm5, v41, v38;
	v22 =	vmin.f32 v22, $7.843137720e-03;
	v54 =	vld.idx.msk [tilespmem:v46+s14+$0x0], $0xffff  }
0x253: {  	v34 =	vadd.f32 $-1.000000000e+00, v52;
	v4 =	vmul.f32 $4.613610220e-04, v53;
	vm6 =	vle.f32 v59, v25;
	v52 =	vld.idx.msk [tilespmem:v36+s14+$0x0], $0xffff  }
0x254: {  	v53 =	vsub.f32 v24, v57;
	vm10 =	vle.f32 v55, v27;
	v56 =	vsel vm6, v51, v42;
	v57 =	vld.idx.msk [tilespmem:v48+s14+$0x0], $0xffff  }
0x255: {  	v58 =	vadd.s32 $0x11, v38;
	v22 =	vadd.f32 v30, v22;
	v39 =	vsel vm10, v47, v40  }
0x256: {  	v4 =	vadd.f32 v4, v61;
	v24 =	vmul.f32 v60, v53;
	v60 =	vld.idx.msk [tilespmem:v32+s14+$0x0], $0xffff;
	vm7 =	vle.f32 v62, v29  }
0x257: {  	v59 =	vcvt.s32.f32 v31;
	vm9 =	vle.f32 v54, v26;
	v1 =	vsel vm7, v35, v1  }
0x258: {  	v32 =	vld.idx.msk [tilespmem:v32+s15+$0x0], $0xffff;
	v24 =	vmax.f32 v24, $0.0e+00;
	vm8 =	vle.f32 v52, v21;
	v33 =	vadd.s32 $0x11, v1  }
0x259: {  	v61 =	vld.idx.msk [tilespmem:v56+s14+$0x0], $0xffff;
	v2 =	vsel vm8, v36, v2;
	v36 =	vsel vm9, v46, v44;
	vm11 =	vle.f32 v57, v28  }
0x25a: {  	v30 =	vmul.f32 $4.613610220e-04, v59;
	v62 =	vld.idx.msk [tilespmem:v58+s14+$0x0], $0xffff;
	v42 =	vadd.s32 $0x11, v36;
	v3 =	vsel vm11, v48, v3  }
0x25b: {  	v24 =	vmin.f32 v24, $7.843137720e-03;
	v55 =	vld.idx.msk [tilespmem:v39+s14+$0x0], $0xffff;
	v20 =	vsub.f32 v20, v60;
	v48 =	vadd.s32 $0x11, v3  }
0x25c: {  	v22 =	vadd.f32 $-1.000000000e+00, v22;
	v24 =	vadd.f32 v30, v24;
	v63 =	vld.idx.msk [tilespmem:v56+s15+$0x0], $0xffff  }
0x25d: {  	v4 =	vadd.f32 $-1.000000000e+00, v4;
	v51 =	vmul.f32 $4.613610220e-04, v49;
	v20 =	vmul.f32 v32, v20;
	v50 =	vld.idx.msk [tilespmem:v33+s14+$0x0], $0xffff  }
0x25e: {  	v41 =	vadd.s32 v19, v56;
	v24 =	vadd.f32 $-1.000000000e+00, v24;
	v54 =	vsub.f32 v25, v61;
	v61 =	vld.idx.msk [tilespmem:v39+s15+$0x0], $0xffff  }
0x25f: {  	v20 =	vmax.f32 v20, $0.0e+00;
	v57 =	vcvt.s32.f32 v41;
	vm12 =	vle.f32 v62, v23;
	v56 =	vld.idx.msk [tilespmem:v42+s14+$0x0], $0xffff  }
0x260: {  	v41 =	vsub.f32 v27, v55;
	v46 =	vadd.s32 v19, v39;
	v37 =	vsel vm12, v58, v38;
	v58 =	vld.idx.msk [tilespmem:v48+s14+$0x0], $0xffff  }
0x261: {  	v53 =	vadd.s32 v19, v2;
	v20 =	vmin.f32 v20, $7.843137720e-03;
	v52 =	vld.idx.msk [tilespmem:v2+s14+$0x0], $0xffff;
	v25 =	vmul.f32 v63, v54  }
0x262: {  	v59 =	vcvt.s32.f32 v53;
	v60 =	vmul.f32 $4.613610220e-04, v57;
	vm13 =	vle.f32 v50, v29  }
0x263: {  	v20 =	vadd.f32 v51, v20;
	v2 =	vld.idx.msk [tilespmem:v2+s15+$0x0], $0xffff;
	v25 =	vmax.f32 v25, $0.0e+00;
	v1 =	vsel vm13, v33, v1  }
0x264: {  	v25 =	vmin.f32 v25, $7.843137720e-03;
	v27 =	vmul.f32 v61, v41;
	vm14 =	vle.f32 v56, v26  }
0x265: {  	v25 =	vadd.f32 v60, v25;
	v45 =	vsel vm14, v42, v36;
	vm15 =	vle.f32 v58, v28  }
0x266: {  	v63 =	vsub.f32 v21, v52;
	v44 =	vld.idx.msk [tilespmem:v37+s14+$0x0], $0xffff;
	v21 =	vcvt.s32.f32 v46;
	v3 =	vsel vm15, v48, v3  }
0x267: {  	v62 =	vmul.f32 $4.613610220e-04, v59;
	v20 =	vadd.f32 $-1.000000000e+00, v20;
	v47 =	vld.idx.msk [tilespmem:v37+s15+$0x0], $0xffff;
	v27 =	vmax.f32 v27, $0.0e+00  }
0x268: {  	v25 =	vadd.f32 $-1.000000000e+00, v25;
	v2 =	vmul.f32 v2, v63;
	v21 =	vmul.f32 $4.613610220e-04, v21;
	v49 =	vld.idx.msk [tilespmem:v1+s14+$0x0], $0xffff  }
0x269: {  	v27 =	vmin.f32 v27, $7.843137720e-03;
	v48 =	vadd.s32 v19, v37;
	v54 =	vadd.s32 v19, v45;
	v50 =	vld.idx.msk [tilespmem:v1+s15+$0x0], $0xffff  }
0x26a: {  	v36 =	vcvt.s32.f32 v48;
	v2 =	vmax.f32 v2, $0.0e+00;
	v21 =	vadd.f32 v21, v27;
	v52 =	vld.idx.msk [tilespmem:v45+s14+$0x0], $0xffff  }
0x26b: {  	v57 =	vcvt.s32.f32 v54;
	v2 =	vmin.f32 v2, $7.843137720e-03;
	v51 =	vsub.f32 v23, v44;
	v53 =	vld.idx.msk [tilespmem:v3+s14+$0x0], $0xffff  }
0x26c: {  	v36 =	vmul.f32 $4.613610220e-04, v36;
	v2 =	vadd.f32 v62, v2;
	v21 =	vadd.f32 $-1.000000000e+00, v21;
	v56 =	vld.idx.msk [tilespmem:v45+s15+$0x0], $0xffff  }
0x26d: {  	v32 =	vmul.f32 $4.613610220e-04, v57;
	v23 =	vmul.f32 v47, v51;
	v1 =	vadd.s32 v19, v1;
	v58 =	vld.idx.msk [tilespmem:v3+s15+$0x0], $0xffff  }
0x26e: {  	v2 =	vadd.f32 $-1.000000000e+00, v2;
	v1 =	vcvt.s32.f32 v1;
	v55 =	vsub.f32 v29, v49  }
0x26f: {  	[tilespmem:s30+$0xFFFFFFF0] =	vst v34;
	v3 =	vadd.s32 v19, v3;
	v23 =	vmax.f32 v23, $0.0e+00;
	v59 =	vsub.f32 v26, v52  }
0x270: {  	s3 =	sadd.s32 $0x20, s29;
	[tilespmem:s29+$0xFFFFFFF0] =	vst v22;
	v3 =	vcvt.s32.f32 v3;
	v27 =	vsub.f32 v28, v53;
	v29 =	vmul.f32 v50, v55  }
0x271: {  	s30 =	sadd.s32 $0x20, s3;
	[tilespmem:s3+$0x0] =	vst v4;
	v4 =	vmin.f32 v23, $7.843137720e-03;
	v1 =	vmul.f32 $4.613610220e-04, v1;
	v61 =	vmul.f32 v56, v59  }
0x272: {  	[tilespmem:s30+$0x0] =	vst v24;
	v4 =	vadd.f32 v36, v4;
	v62 =	vmul.f32 v58, v27;
	v60 =	vmax.f32 v29, $0.0e+00  }
0x273: {  	s31 =	sadd.s32 $0x20, s30;
	[tilespmem:s3+$0xFFFFFFF0] =	vst v20;
	v3 =	vmul.f32 $4.613610220e-04, v3;
	v20 =	vmax.f32 v61, $0.0e+00;
	v23 =	vmin.f32 v60, $7.843137720e-03  }
0x274: {  	[tilespmem:s31+$0x0] =	vst v25;
	v20 =	vmin.f32 v20, $7.843137720e-03;
	v63 =	vmax.f32 v62, $0.0e+00;
	v1 =	vadd.f32 v1, v23  }
0x275: {  	[tilespmem:s30+$0xFFFFFFF0] =	vst v2;
	s30 =	sadd.s32 $0x20, s31;
	v2 =	vadd.f32 $-1.000000000e+00, v4;
	v4 =	vadd.f32 v32, v20;
	v20 =	vmin.f32 v63, $7.843137720e-03  }
0x276: {  	[tilespmem:s30+$0x0] =	vst v21;
	v3 =	vadd.f32 v3, v20;
	v1 =	vadd.f32 $-1.000000000e+00, v1  }
0x277: {  	[tilespmem:s31+$0xFFFFFFF0] =	vst v2;
	s31 =	sadd.s32 $0x20, s30;
	v2 =	vadd.f32 $-1.000000000e+00, v4  }
0x278: {  	[tilespmem:s31+$0x0] =	vst v1;
	v1 =	vadd.f32 $-1.000000000e+00, v3  }
0x279: {  	s28 =	sadd.s32 s28, s5;
	s25 =	sadd.s32 $0x1, s25;
	[tilespmem:s30+$0xFFFFFFF0] =	vst v2  }
0x27a: {  	p0 =	sne.s32 s25, $0x10;
	s30 =	sadd.s32 $0x800, s28;
	[tilespmem:s31+$0xFFFFFFF0] =	vst v1;
	s31 =	smin.u32 s26, $0x1C  }
0x27b: {  	[hbm4b:s30+s7] =	stream.linear.scatter [tilespmem:s21], [sflag:$0x4], $0x4000, $0x38;
	[tilespmem:$0x12400] =	vst v63  }
.Ltmp4:
0x27c: {  	s3 =	sshll.u32 s31, $0xE;
	(pc) =	sbr.rel @p0 .LBB2_6-.Ltmp4, $4  }
0x27d: {  	s3 =	sadd.s32 s3, s11  }
0x27e: {  	s3 =	sshrl.u32 s3, $0x3  }
0x27f: {  	s3 =	sadd.s32 s1, s3  }
0x280: {  	[tilespmem:s17], [sflag:$0x2] =	stream.linear.gather [hbm4b:s3+s7], $0x4000, $0x38;
	[tilespmem:$0x12400] =	vst v63  }
0x281: {  	_ =	swait.ge [sflag:s22], $0x4000  }
0x282: {  	[sflag:s22] =	ssyncset.done $0x0  }
0x283: {  	[sflag:s22] =	ssyncadd.s32 $0xFFFFC000  }
0x284: {  	_ =	swait.ge [sflag:s23], $0x4000  }
0x285: {  	[sflag:s23] =	ssyncset.done $0x0  }
0x286: {  	[sflag:s23] =	ssyncadd.s32 $0xFFFFC000  }
0x287: {  	_ =	swait.ge [sflag:s18], $0x4000  }
0x288: {  	s24 =	sadd.s32 $0x1, s24;
	[sflag:s18] =	ssyncset.done $0x0  }
0x289: {  	p0 =	sne.s32 s24, s12;
	[sflag:s18] =	ssyncadd.s32 $0xFFFFC000  }
.Ltmp5:
0x28a: {  	_ =	swait.ge [sflag:s20], $0x4000;
	(pc) =	sbr.rel @p0 .LBB2_1-.Ltmp5, $4  }
0x28b: {  	v1 =	vld [tilespmem:$0x1FFC0]  }
0x28c: {  	v2 =	vld [tilespmem:$0x1FFD0]  }
0x28d: {  	[sflag:s20] =	ssyncset.done $0x0;
	v3 =	vld [tilespmem:$0x1FFE0]  }
0x28e: {  	v4 =	vld [tilespmem:$0x1FFF0];
	[sflag:s20] =	ssyncadd.s32 $0xFFFFC000  }
0x28f: {  	_ =	sfence.sel $0x180000  }
0x290: {  	[bflag:$0x0] =	sbarrier.arrive $0xFFFF  }
0x291: {  	_ =	strace $0x90000047  }
0x292: {  	[bflag:$0x2] =	sbarrier.arrive $0xFFFF  }
0x293: {  	p0 =	sne.s32 s0, $0x0;
	s0 =	rddreg [dreg:$0x4]  }
0x294: {  	s0 =	sadd.s32 @!p0 $0x100000, s0  }
0x295: {  	[sflag:s0] =	ssyncadd.tile.s32 @!p0 $0x1;
	_ =	shalt  }
.Lfunc_end2:
_tile_overlayer_lowered:
.L_overlay_start_2:
0x296: {  	(tag) =	ssettag $0x2  }
0x297: {  	s0 =	rddreg [dreg:$0x0];
	s2 =	stileid.u32  }
0x298: {  	s1 =	rddreg [dreg:$0x1];
	p0 =	sne.s32 s2, $0x0  }
0x299: {  	s3 =	rddreg [dreg:$0x2];
	[bflag:$0x3] =	sbarrier.arrive $0xFFFF;
	s2 =	simm.s32 @!p0 $0x1C05  }
0x29a: {  	[timem:s3], [sflag:s2] =	dma.local @!p0 [hbm:s0], s1  }
0x29b: {  	s0 =	simm.s32 @!p0 $0x5  }
0x29c: {  	_ =	swait.ge @!p0 [sflag:s0], s1  }
0x29d: {  	s1 =	ssub.s32 @!p0 $0x0, s1;
	[sflag:s0] =	ssyncset.done @!p0 $0x0  }
0x29e: {  	[sflag:s0] =	ssyncadd.s32 @!p0 s1  }
0x29f: {  	[bflag:$0x3] =	sbarrier.arrive $0xFFFF  }
0x2a0: {  	_ =	shalt  }

</sc_bundles>
